<compile_context>
chip_gen: v7x
topology: tpu7x:2x2x1
jax: 0.10.2.dev20260603
libtpu: 0.0.44.dev20260713+nightly
codegen_flags: <defaults>
</compile_context>

<pallas_src>
import functools

import jax
import jax.numpy as jnp
from jax import lax
from jax.experimental import pallas as pl
from jax.experimental.pallas import tpu as pltpu
from jax.experimental.pallas import tpu_sc as plsc

_NC, _NS, _L = 2, 16, 16
_NW = _NC * _NS
_CUTOFF = 5.0
_EPS = 1e-9
_COEF = (
    0.9999999999987337, -2.4674011001584417, 2.0293560606998295,
    -0.6676313609647043, 0.11766520044119091, -0.012903122963390651,
    0.0009642455315927926, -5.1782295995332885e-05, 1.859712434731487e-06,
)


def _cutoff_poly(t):
    acc = jnp.full(t.shape, _COEF[-1], jnp.float32)
    for k in range(len(_COEF) - 2, -1, -1):
        acc = acc * t + _COEF[k]
    return acc


def _sc_sv_body(nblk, m_nbr, cx_h, cy_h, cz_h, nbr_h, out_h,
                cx_v, cy_v, cz_v, nbr_v, acc_v):
    wid = lax.axis_index("s") * _NC + lax.axis_index("c")
    npw = nblk * _L
    base = wid * npw
    pltpu.sync_copy(cx_h, cx_v)
    pltpu.sync_copy(cy_h, cy_v)
    pltpu.sync_copy(cz_h, cz_v)
    pltpu.sync_copy(nbr_h.at[wid], nbr_v)
    inv_c2 = 1.0 / (_CUTOFF * _CUTOFF)

    def blk(b, carry):
        off = base + b * _L
        ox = cx_v[pl.ds(off, _L)]
        oy = cy_v[pl.ds(off, _L)]
        oz = cz_v[pl.ds(off, _L)]
        s = jnp.zeros((_L,), jnp.float32)
        vx = jnp.zeros((_L,), jnp.float32)
        vy = jnp.zeros((_L,), jnp.float32)
        vz = jnp.zeros((_L,), jnp.float32)
        for m in range(m_nbr):
            idx = nbr_v[m, pl.ds(b * _L, _L)]
            gx = plsc.load_gather(cx_v, [idx])
            gy = plsc.load_gather(cy_v, [idx])
            gz = plsc.load_gather(cz_v, [idx])
            rx = gx - ox
            ry = gy - oy
            rz = gz - oz
            u = rx * rx + ry * ry + rz * rz + _EPS
            t = u * inv_c2
            p = _cutoff_poly(jnp.minimum(t, 1.0))
            fn = jnp.where(t < 1.0, p, 0.0)
            s = s + fn
            vx = vx + fn * rx
            vy = vy + fn * ry
            vz = vz + fn * rz
        acc_v[0, pl.ds(b * _L, _L)] = s
        acc_v[1, pl.ds(b * _L, _L)] = vx
        acc_v[2, pl.ds(b * _L, _L)] = vy
        acc_v[3, pl.ds(b * _L, _L)] = vz
        return carry

    lax.fori_loop(0, nblk, blk, 0)
    pltpu.sync_copy(acc_v, out_h.at[wid])


def _sc_sv(cx, cy, cz, nbr_w, nblk, m_nbr):
    npad = cx.shape[0]
    npw = nblk * _L
    mesh = plsc.VectorSubcoreMesh(core_axis_name="c", subcore_axis_name="s",
                                  num_cores=_NC, num_subcores=_NS)
    fn = pl.kernel(
        functools.partial(_sc_sv_body, nblk, m_nbr),
        out_type=jax.ShapeDtypeStruct((_NW, 4, npw), jnp.float32),
        mesh=mesh,
        compiler_params=pltpu.CompilerParams(needs_layout_passes=False),
        scratch_types=[
            pltpu.VMEM((npad,), jnp.float32),
            pltpu.VMEM((npad,), jnp.float32),
            pltpu.VMEM((npad,), jnp.float32),
            pltpu.VMEM((m_nbr, npw), jnp.int32),
            pltpu.VMEM((4, npw), jnp.float32),
        ],
    )
    return fn(cx, cy, cz, nbr_w)


def _tc_body(nl_ref, sv_ref, x0_ref, x1x_ref, x1y_ref, x1z_ref,
             w0_ref, b0_ref, w1_ref, out0_ref, o1x_ref, o1y_ref, o1z_ref):
    s = sv_ref[:, 0:1]
    vx = sv_ref[:, 1:2]
    vy = sv_ref[:, 2:3]
    vz = sv_ref[:, 3:4]
    x0b = x0_ref[...]
    x1xb = x1x_ref[...]
    x1yb = x1y_ref[...]
    x1zb = x1z_ref[...]
    agg0 = x0b * s + x1xb * vx + x1yb * vy + x1zb * vz
    si0 = jnp.dot(agg0, w0_ref[...], preferred_element_type=jnp.float32)
    si0 = si0 + b0_ref[...]
    w1 = w1_ref[...]
    s1x = jnp.dot(x0b * vx + x1xb * s, w1, preferred_element_type=jnp.float32)
    s1y = jnp.dot(x0b * vy + x1yb * s, w1, preferred_element_type=jnp.float32)
    s1z = jnp.dot(x0b * vz + x1zb * s, w1, preferred_element_type=jnp.float32)
    nlw0 = nl_ref[0]
    nlb0 = nl_ref[1]
    nlw1 = nl_ref[2]
    nlb1 = nl_ref[3]
    z0 = nlw0 * si0 + nlb0
    out0_ref[...] = z0 * jax.nn.sigmoid(z0)
    nrm = jnp.sqrt(s1x * s1x + s1y * s1y + s1z * s1z + _EPS)
    z1 = nlw1 * nrm + nlb1
    f = z1 * jax.nn.sigmoid(z1)
    o1x_ref[...] = f * s1x
    o1y_ref[...] = f * s1y
    o1z_ref[...] = f * s1z


def _tc_dense(nlv, sv, x0s, x1x, x1y, x1z, w0, b0r, w1, blk):
    n, c = x0s.shape
    grid = (n // blk,)
    row = lambda i: (i, 0)
    fixed = lambda i: (0, 0)
    return pl.pallas_call(
        _tc_body,
        grid=grid,
        in_specs=[
            pl.BlockSpec(memory_space=pltpu.SMEM),
            pl.BlockSpec((blk, 4), row),
            pl.BlockSpec((blk, c), row),
            pl.BlockSpec((blk, c), row),
            pl.BlockSpec((blk, c), row),
            pl.BlockSpec((blk, c), row),
            pl.BlockSpec((c, c), fixed),
            pl.BlockSpec((1, c), fixed),
            pl.BlockSpec((c, c), fixed),
        ],
        out_specs=[
            pl.BlockSpec((blk, c), row),
            pl.BlockSpec((blk, c), row),
            pl.BlockSpec((blk, c), row),
            pl.BlockSpec((blk, c), row),
        ],
        out_shape=[jax.ShapeDtypeStruct((n, c), jnp.float32)] * 4,
    )(nlv, sv, x0s, x1x, x1y, x1z, w0, b0r, w1)


def kernel(x0, x1, coordinate, neighbor, mask, W0, b0, W1, nl_w, nl_b):
    del mask
    b, n, c = x0.shape
    m_nbr = neighbor.shape[-1]
    x0s = x0[0]
    x1s = x1[0]
    coord = coordinate[0]
    nbr = neighbor[0].astype(jnp.int32)

    npw = -(-n // (_NW * _L)) * _L
    npad = _NW * npw
    nblk = npw // _L

    cx = jnp.pad(coord[:, 0], (0, npad - n))
    cy = jnp.pad(coord[:, 1], (0, npad - n))
    cz = jnp.pad(coord[:, 2], (0, npad - n))
    nbr_w = (jnp.pad(nbr, ((0, npad - n), (0, 0)))
             .reshape(_NW, npw, m_nbr).transpose(0, 2, 1))

    sv32 = _sc_sv(cx, cy, cz, nbr_w, nblk, m_nbr)
    sv = sv32.transpose(0, 2, 1).reshape(npad, 4)[:n]

    nlv = jnp.stack([nl_w[0], nl_b[0], nl_w[1], nl_b[1]])
    b0r = b0.reshape(1, c)
    x1x = x1s[:, :, 0]
    x1y = x1s[:, :, 1]
    x1z = x1s[:, :, 2]

    blk = 1000 if n % 1000 == 0 else 8
    out0, o1x, o1y, o1z = _tc_dense(nlv, sv, x0s, x1x, x1y, x1z,
                                    W0, b0r, W1, blk)
    out1 = jnp.stack([o1x, o1y, o1z], axis=-1)
    return (out0[None], out1[None])

# --- scband reference (transcript-rebuilt; emitter-appended) ---
"""Pipeline reference for scband-son-equivalent-layer-3968549782330 (READ-ONLY COPY).

The authoritative reference and input builder live on the scoring server;
editing this copy changes nothing except your own understanding.
"""

import jax, jax.numpy as jnp
import numpy as np

MAX_OUT_WAY = 1
MAX_R_WAY = 1
CUTOFF = 5.0
EPS = 1e-9


def expand_to(t, n_dim, dim=-1):
    while t.ndim < n_dim:
        t = jnp.expand_dims(t, dim)
    return t


def way_combination(out_ways, in_ways, r_ways):
    combos = []
    for o in out_ways:
        for i in in_ways:
            for r in r_ways:
                s = i + r - o
                if s >= 0 and s % 2 == 0 and s // 2 <= min(i, r):
                    combos.append((o, i, r))
    return combos


def multi_outer_product(rij, r_way):
    out = jnp.ones(rij.shape[:-1], rij.dtype)
    for i in range(r_way):
        out = out[..., None] * rij.reshape(rij.shape[:3] + (1,) * i + (3,))
    return out


def radius_fn(dij):
    # cosine cutoff radial function
    return 0.5 * (jnp.cos(jnp.pi * dij / CUTOFF) + 1.0) * (dij < CUTOFF).astype(dij.dtype)


def find_distances(coordinate, neighbor, mask):
    # coordinate [B,N,3], neighbor [B,N,M] int, mask [B,N,M] bool
    gathered = jax.vmap(lambda c, n: c[n])(coordinate, neighbor)  # [B,N,M,3]
    rij = gathered - coordinate[:, :, None, :]
    return rij * mask[..., None].astype(rij.dtype)


def setup_inputs(seed: int = 0):
    key = jax.random.key(seed)
    ks = jax.random.split(key, 8)
    B, N, M, C = 1, 10000, 16, 128
    x0 = jax.random.normal(ks[0], (B, N, C), jnp.float32)
    x1 = jax.random.normal(ks[1], (B, N, C, 3), jnp.float32)
    coordinate = jax.random.normal(ks[2], (B, N, 3), jnp.float32) * 3.0
    neighbor = jax.random.randint(ks[3], (B, N, M), 0, N)
    mask = jnp.ones((B, N, M), bool)
    W0 = jax.random.normal(ks[4], (C, C), jnp.float32) / np.sqrt(C)
    b0 = jnp.zeros((C,), jnp.float32)
    W1 = jax.random.normal(ks[5], (C, C), jnp.float32) / np.sqrt(C)
    nl_w = jnp.ones((MAX_OUT_WAY + 1,), jnp.float32)
    nl_b = jnp.zeros((MAX_OUT_WAY + 1,), jnp.float32)
    return {"x0": x0, "x1": x1, "coordinate": coordinate, "neighbor": neighbor,
            "mask": mask, "W0": W0, "b0": b0, "W1": W1, "nl_w": nl_w, "nl_b": nl_b}


def reference(x0, x1, coordinate, neighbor, mask, W0, b0, W1, nl_w, nl_b):
    input_tensors = {0: x0, 1: x1}
    # --- TensorAggregateLayer ---
    rij = find_distances(coordinate, neighbor, mask)
    dij = jnp.sqrt(jnp.sum(rij * rij, axis=-1) + EPS)
    fn = radius_fn(dij) * mask.astype(rij.dtype)
    agg = {o: None for o in range(MAX_OUT_WAY + 1)}
    for (o, i, r) in way_combination(range(MAX_OUT_WAY + 1), sorted(input_tensors.keys()), range(MAX_R_WAY + 1)):
        c = (i + r - o) // 2
        filt = multi_outer_product(rij, r) * expand_to(fn, r + 3)
        n_way = i + r - c + 4
        inp = expand_to(jnp.expand_dims(input_tensors[i], 3), n_way, dim=-1)
        ft = expand_to(jnp.expand_dims(filt, 2), n_way, dim=4)
        out = jnp.sum(inp * ft, axis=tuple([3] + list(range(i - c + 4, i + 4))))
        agg[o] = out if agg[o] is None else agg[o] + out
    # --- SelfInteractionLayer ---
    lin = {0: (W0, b0), 1: (W1, None)}
    si = {}
    for way in sorted(agg.keys()):
        t = agg[way]
        W, b = lin[way]
        tt = jnp.swapaxes(t, 2, -1) @ W
        if b is not None:
            tt = tt + b
        si[way] = jnp.swapaxes(tt, 2, -1)
    # --- NonLinearLayer ---
    outs = {}
    for way in sorted(si.keys()):
        t = si[way]
        if way == 0:
            outs[way] = jax.nn.silu(nl_w[0] * t + nl_b[0])
        else:
            norm = jnp.sqrt(jnp.sum(t * t, axis=tuple(range(3, 3 + way)), keepdims=True) + EPS)
            outs[way] = jax.nn.silu(nl_w[way] * norm + nl_b[way]) * t
    return (outs[0], outs[1])

if __name__ == "__main__":
    import jax
    _d = setup_inputs()
    print(jax.jit(kernel)(*tuple(_d.values())))

</pallas_src>

<mosaic_0001>
#map = affine_map<(d0, d1) -> (0)>
#map1 = affine_map<(d0, d1) -> (0, 0, 0)>
module attributes {stable_mosaic.version = 14 : i64} {
  func.func @_sc_sv_body(%arg0: i32, %arg1: i32, %arg2: memref<10240xf32, #tpu.memory_space<hbm>>, %arg3: memref<10240xf32, #tpu.memory_space<hbm>>, %arg4: memref<10240xf32, #tpu.memory_space<hbm>>, %arg5: memref<32x16x320xi32, #tpu.memory_space<hbm>>, %arg6: memref<32x4x320xf32, #tpu.memory_space<hbm>>, %arg7: memref<10240xf32, #tpu.memory_space<vmem>>, %arg8: memref<10240xf32, #tpu.memory_space<vmem>>, %arg9: memref<10240xf32, #tpu.memory_space<vmem>>, %arg10: memref<16x320xi32, #tpu.memory_space<vmem>>, %arg11: memref<4x320xf32, #tpu.memory_space<vmem>>) attributes {dimension_semantics = [#tpu.dimension_semantics<core_parallel>, #tpu.dimension_semantics<subcore_parallel>], iteration_bounds = array<i64: 2, 16>, scalar_prefetch = 0 : i64, scratch_operands = 5 : i64, tpu.core_type = #tpu.core_type<sc_vector_subcore>, window_params = [{transform_indices = #map}, {transform_indices = #map}, {transform_indices = #map}, {transform_indices = #map1}, {transform_indices = #map1}]} {
    %mul3A = arith.constant 2 : i32
    %mul3A_0 = arith.muli %arg1, %mul3A : i32
    %add3A = arith.addi %mul3A_0, %arg0 : i32
    %mul3A_1 = arith.constant 320 : i32
    %mul3A_2 = arith.muli %add3A, %mul3A_1 : i32
    "tpu.region"() ({
      %run_scoped3A = tpu.sem_alloc : memref<!tpu.dma_semaphore, #tpu.memory_space<semaphore_mem>>
      tpu.enqueue_dma source(%arg2 : memref<10240xf32, #tpu.memory_space<hbm>>) target(%arg7 : memref<10240xf32, #tpu.memory_space<vmem>>) target_semaphore(%run_scoped3A : memref<!tpu.dma_semaphore, #tpu.memory_space<semaphore_mem>>)
      tpu.wait_dma2 semaphore(%run_scoped3A : memref<!tpu.dma_semaphore, #tpu.memory_space<semaphore_mem>>) src(%arg2 : memref<10240xf32, #tpu.memory_space<hbm>>) dst(%arg7 : memref<10240xf32, #tpu.memory_space<vmem>>)
      tpu.yield
    }) : () -> ()
    "tpu.region"() ({
      %run_scoped3A = tpu.sem_alloc : memref<!tpu.dma_semaphore, #tpu.memory_space<semaphore_mem>>
      tpu.enqueue_dma source(%arg3 : memref<10240xf32, #tpu.memory_space<hbm>>) target(%arg8 : memref<10240xf32, #tpu.memory_space<vmem>>) target_semaphore(%run_scoped3A : memref<!tpu.dma_semaphore, #tpu.memory_space<semaphore_mem>>)
      tpu.wait_dma2 semaphore(%run_scoped3A : memref<!tpu.dma_semaphore, #tpu.memory_space<semaphore_mem>>) src(%arg3 : memref<10240xf32, #tpu.memory_space<hbm>>) dst(%arg8 : memref<10240xf32, #tpu.memory_space<vmem>>)
      tpu.yield
    }) : () -> ()
    "tpu.region"() ({
      %run_scoped3A = tpu.sem_alloc : memref<!tpu.dma_semaphore, #tpu.memory_space<semaphore_mem>>
      tpu.enqueue_dma source(%arg4 : memref<10240xf32, #tpu.memory_space<hbm>>) target(%arg9 : memref<10240xf32, #tpu.memory_space<vmem>>) target_semaphore(%run_scoped3A : memref<!tpu.dma_semaphore, #tpu.memory_space<semaphore_mem>>)
      tpu.wait_dma2 semaphore(%run_scoped3A : memref<!tpu.dma_semaphore, #tpu.memory_space<semaphore_mem>>) src(%arg4 : memref<10240xf32, #tpu.memory_space<hbm>>) dst(%arg9 : memref<10240xf32, #tpu.memory_space<vmem>>)
      tpu.yield
    }) : () -> ()
    "tpu.region"() ({
      %run_scoped3A = tpu.sem_alloc : memref<!tpu.dma_semaphore, #tpu.memory_space<semaphore_mem>>
      %dma_start3A = arith.constant 0 : i32
      %dma_start3A_8 = arith.constant 0 : i32
      %dma_start3A_9 = tpu.memref_slice %arg5[%add3A, %dma_start3A, %dma_start3A_8] : memref<32x16x320xi32, #tpu.memory_space<hbm>> -> memref<1x16x320xi32, #tpu.memory_space<hbm>>
      %dma_start3A_10 = tpu.memref_squeeze %dma_start3A_9 : memref<1x16x320xi32, #tpu.memory_space<hbm>> -> memref<16x320xi32, #tpu.memory_space<hbm>>
      %dma_start3A_11 = arith.constant 0 : i32
      %dma_start3A_12 = arith.constant 0 : i32
      %dma_start3A_13 = tpu.memref_slice %arg5[%add3A, %dma_start3A_11, %dma_start3A_12] : memref<32x16x320xi32, #tpu.memory_space<hbm>> -> memref<1x16x320xi32, #tpu.memory_space<hbm>>
      %dma_start3A_14 = tpu.memref_squeeze %dma_start3A_13 : memref<1x16x320xi32, #tpu.memory_space<hbm>> -> memref<16x320xi32, #tpu.memory_space<hbm>>
      tpu.enqueue_dma source(%dma_start3A_14 : memref<16x320xi32, #tpu.memory_space<hbm>>) target(%arg10 : memref<16x320xi32, #tpu.memory_space<vmem>>) target_semaphore(%run_scoped3A : memref<!tpu.dma_semaphore, #tpu.memory_space<semaphore_mem>>)
      %dma_wait3A = arith.constant 0 : i32
      %dma_wait3A_15 = arith.constant 0 : i32
      %dma_wait3A_16 = tpu.memref_slice %arg5[%add3A, %dma_wait3A, %dma_wait3A_15] : memref<32x16x320xi32, #tpu.memory_space<hbm>> -> memref<1x16x320xi32, #tpu.memory_space<hbm>>
      %dma_wait3A_17 = tpu.memref_squeeze %dma_wait3A_16 : memref<1x16x320xi32, #tpu.memory_space<hbm>> -> memref<16x320xi32, #tpu.memory_space<hbm>>
      %dma_wait3A_18 = arith.constant 0 : i32
      %dma_wait3A_19 = arith.constant 0 : i32
      %dma_wait3A_20 = tpu.memref_slice %arg5[%add3A, %dma_wait3A_18, %dma_wait3A_19] : memref<32x16x320xi32, #tpu.memory_space<hbm>> -> memref<1x16x320xi32, #tpu.memory_space<hbm>>
      %dma_wait3A_21 = tpu.memref_squeeze %dma_wait3A_20 : memref<1x16x320xi32, #tpu.memory_space<hbm>> -> memref<16x320xi32, #tpu.memory_space<hbm>>
      tpu.wait_dma2 semaphore(%run_scoped3A : memref<!tpu.dma_semaphore, #tpu.memory_space<semaphore_mem>>) src(%dma_wait3A_21 : memref<16x320xi32, #tpu.memory_space<hbm>>) dst(%arg10 : memref<16x320xi32, #tpu.memory_space<vmem>>)
      tpu.yield
    }) : () -> ()
    %scan3A = arith.constant 0 : i32
    %scan3A_3 = arith.constant 0 : i32
    %scan3A_4 = arith.constant 20 : i32
    %scan3A_5 = arith.addi %scan3A_3, %scan3A_4 : i32
    %scan3A_6 = arith.constant 1 : i32
    scf.for %scan3A_8 = %scan3A_3 to %scan3A_5 step %scan3A_6  : i32 {
      %mul3A_9 = arith.constant 16 : i32
      %mul3A_10 = arith.muli %scan3A_8, %mul3A_9 : i32
      %add3A_11 = arith.addi %mul3A_2, %mul3A_10 : i32
      %get3A = arith.index_cast %add3A_11 : i32 to index
      %get3A_12 = tpu.vector_load %arg7[%get3A] {strides = array<i32>} : memref<10240xf32, #tpu.memory_space<vmem>>, vector<16xf32>,
      %get3A_13 = arith.index_cast %add3A_11 : i32 to index
      %get3A_14 = tpu.vector_load %arg8[%get3A_13] {strides = array<i32>} : memref<10240xf32, #tpu.memory_space<vmem>>, vector<16xf32>,
      %get3A_15 = arith.index_cast %add3A_11 : i32 to index
      %get3A_16 = tpu.vector_load %arg9[%get3A_15] {strides = array<i32>} : memref<10240xf32, #tpu.memory_space<vmem>>, vector<16xf32>,
      %broadcast_in_dim3A = arith.constant 0.000000e+00 : f32
      %broadcast_in_dim3A_17 = vector.broadcast %broadcast_in_dim3A : f32 to vector<16xf32>
      %broadcast_in_dim3A_18 = arith.constant 0.000000e+00 : f32
      %broadcast_in_dim3A_19 = vector.broadcast %broadcast_in_dim3A_18 : f32 to vector<16xf32>
      %broadcast_in_dim3A_20 = arith.constant 0.000000e+00 : f32
      %broadcast_in_dim3A_21 = vector.broadcast %broadcast_in_dim3A_20 : f32 to vector<16xf32>
      %broadcast_in_dim3A_22 = arith.constant 0.000000e+00 : f32
      %broadcast_in_dim3A_23 = vector.broadcast %broadcast_in_dim3A_22 : f32 to vector<16xf32>
      %mul3A_24 = arith.constant 16 : i32
      %mul3A_25 = arith.muli %scan3A_8, %mul3A_24 : i32
      %get3A_26 = arith.constant 0 : i32
      %get3A_27 = arith.index_cast %get3A_26 : i32 to index
      %get3A_28 = arith.index_cast %mul3A_25 : i32 to index
      %get3A_29 = tpu.vector_load %arg10[%get3A_27, %get3A_28] {strides = array<i32>} : memref<16x320xi32, #tpu.memory_space<vmem>>, vector<16xi32>,
      %gather3A = tpu.vector_load_idx %arg7[%get3A_29] : memref<10240xf32, #tpu.memory_space<vmem>>[vector<16xi32>], vector<16xf32>,
      %gather3A_30 = tpu.vector_load_idx %arg8[%get3A_29] : memref<10240xf32, #tpu.memory_space<vmem>>[vector<16xi32>], vector<16xf32>,
      %gather3A_31 = tpu.vector_load_idx %arg9[%get3A_29] : memref<10240xf32, #tpu.memory_space<vmem>>[vector<16xi32>], vector<16xf32>,
      %sub3A = arith.subf %gather3A, %get3A_12 : vector<16xf32>
      %sub3A_32 = arith.subf %gather3A_30, %get3A_14 : vector<16xf32>
      %sub3A_33 = arith.subf %gather3A_31, %get3A_16 : vector<16xf32>
      %mul3A_34 = arith.mulf %sub3A, %sub3A : vector<16xf32>
      %mul3A_35 = arith.mulf %sub3A_32, %sub3A_32 : vector<16xf32>
      %add3A_36 = arith.addf %mul3A_34, %mul3A_35 : vector<16xf32>
      %mul3A_37 = arith.mulf %sub3A_33, %sub3A_33 : vector<16xf32>
      %add3A_38 = arith.addf %add3A_36, %mul3A_37 : vector<16xf32>
      %add3A_39 = arith.constant 9.99999971E-10 : f32
      %add3A_40 = vector.broadcast %add3A_39 : f32 to vector<16xf32>
      %add3A_41 = arith.addf %add3A_38, %add3A_40 : vector<16xf32>
      %mul3A_42 = arith.constant 4.000000e-02 : f32
      %mul3A_43 = vector.broadcast %mul3A_42 : f32 to vector<16xf32>
      %mul3A_44 = arith.mulf %add3A_41, %mul3A_43 : vector<16xf32>
      %min3A = arith.constant 1.000000e+00 : f32
      %min3A_45 = vector.broadcast %min3A : f32 to vector<16xf32>
      %min3A_46 = arith.minimumf %mul3A_44, %min3A_45 : vector<16xf32>
      %broadcast_in_dim3A_47 = arith.constant 1.85971248E-6 : f32
      %broadcast_in_dim3A_48 = vector.broadcast %broadcast_in_dim3A_47 : f32 to vector<16xf32>
      %mul3A_49 = arith.mulf %broadcast_in_dim3A_48, %min3A_46 : vector<16xf32>
      %add3A_50 = arith.constant -5.17822955E-5 : f32
      %add3A_51 = vector.broadcast %add3A_50 : f32 to vector<16xf32>
      %add3A_52 = arith.addf %mul3A_49, %add3A_51 : vector<16xf32>
      %mul3A_53 = arith.mulf %add3A_52, %min3A_46 : vector<16xf32>
      %add3A_54 = arith.constant 9.64245526E-4 : f32
      %add3A_55 = vector.broadcast %add3A_54 : f32 to vector<16xf32>
      %add3A_56 = arith.addf %mul3A_53, %add3A_55 : vector<16xf32>
      %mul3A_57 = arith.mulf %add3A_56, %min3A_46 : vector<16xf32>
      %add3A_58 = arith.constant -0.0129031232 : f32
      %add3A_59 = vector.broadcast %add3A_58 : f32 to vector<16xf32>
      %add3A_60 = arith.addf %mul3A_57, %add3A_59 : vector<16xf32>
      %mul3A_61 = arith.mulf %add3A_60, %min3A_46 : vector<16xf32>
      %add3A_62 = arith.constant 0.117665201 : f32
      %add3A_63 = vector.broadcast %add3A_62 : f32 to vector<16xf32>
      %add3A_64 = arith.addf %mul3A_61, %add3A_63 : vector<16xf32>
      %mul3A_65 = arith.mulf %add3A_64, %min3A_46 : vector<16xf32>
      %add3A_66 = arith.constant -0.667631388 : f32
      %add3A_67 = vector.broadcast %add3A_66 : f32 to vector<16xf32>
      %add3A_68 = arith.addf %mul3A_65, %add3A_67 : vector<16xf32>
      %mul3A_69 = arith.mulf %add3A_68, %min3A_46 : vector<16xf32>
      %add3A_70 = arith.constant 2.029356 : f32
      %add3A_71 = vector.broadcast %add3A_70 : f32 to vector<16xf32>
      %add3A_72 = arith.addf %mul3A_69, %add3A_71 : vector<16xf32>
      %mul3A_73 = arith.mulf %add3A_72, %min3A_46 : vector<16xf32>
      %add3A_74 = arith.constant -2.46740103 : f32
      %add3A_75 = vector.broadcast %add3A_74 : f32 to vector<16xf32>
      %add3A_76 = arith.addf %mul3A_73, %add3A_75 : vector<16xf32>
      %mul3A_77 = arith.mulf %add3A_76, %min3A_46 : vector<16xf32>
      %add3A_78 = arith.constant 1.000000e+00 : f32
      %add3A_79 = vector.broadcast %add3A_78 : f32 to vector<16xf32>
      %add3A_80 = arith.addf %mul3A_77, %add3A_79 : vector<16xf32>
      %lt3A = arith.constant 1.000000e+00 : f32
      %lt3A_81 = vector.broadcast %lt3A : f32 to vector<16xf32>
      %lt3A_82 = arith.cmpf olt, %mul3A_44, %lt3A_81 : vector<16xf32>
      %jit3A = arith.constant 0.000000e+00 : f32
      %broadcast_in_dim3A_83 = vector.broadcast %jit3A : f32 to vector<16xf32>
      %select_n3A = arith.select %lt3A_82, %add3A_80, %broadcast_in_dim3A_83 : vector<16xi1>, vector<16xf32>
      %add3A_84 = arith.addf %broadcast_in_dim3A_17, %select_n3A : vector<16xf32>
      %mul3A_85 = arith.mulf %select_n3A, %sub3A : vector<16xf32>
      %add3A_86 = arith.addf %broadcast_in_dim3A_19, %mul3A_85 : vector<16xf32>
      %mul3A_87 = arith.mulf %select_n3A, %sub3A_32 : vector<16xf32>
      %add3A_88 = arith.addf %broadcast_in_dim3A_21, %mul3A_87 : vector<16xf32>
      %mul3A_89 = arith.mulf %select_n3A, %sub3A_33 : vector<16xf32>
      %add3A_90 = arith.addf %broadcast_in_dim3A_23, %mul3A_89 : vector<16xf32>
      %mul3A_91 = arith.constant 16 : i32
      %mul3A_92 = arith.muli %scan3A_8, %mul3A_91 : i32
      %get3A_93 = arith.constant 1 : i32
      %get3A_94 = arith.index_cast %get3A_93 : i32 to index
      %get3A_95 = arith.index_cast %mul3A_92 : i32 to index
      %get3A_96 = tpu.vector_load %arg10[%get3A_94, %get3A_95] {strides = array<i32>} : memref<16x320xi32, #tpu.memory_space<vmem>>, vector<16xi32>,
      %gather3A_97 = tpu.vector_load_idx %arg7[%get3A_96] : memref<10240xf32, #tpu.memory_space<vmem>>[vector<16xi32>], vector<16xf32>,
      %gather3A_98 = tpu.vector_load_idx %arg8[%get3A_96] : memref<10240xf32, #tpu.memory_space<vmem>>[vector<16xi32>], vector<16xf32>,
      %gather3A_99 = tpu.vector_load_idx %arg9[%get3A_96] : memref<10240xf32, #tpu.memory_space<vmem>>[vector<16xi32>], vector<16xf32>,
      %sub3A_100 = arith.subf %gather3A_97, %get3A_12 : vector<16xf32>
      %sub3A_101 = arith.subf %gather3A_98, %get3A_14 : vector<16xf32>
      %sub3A_102 = arith.subf %gather3A_99, %get3A_16 : vector<16xf32>
      %mul3A_103 = arith.mulf %sub3A_100, %sub3A_100 : vector<16xf32>
      %mul3A_104 = arith.mulf %sub3A_101, %sub3A_101 : vector<16xf32>
      %add3A_105 = arith.addf %mul3A_103, %mul3A_104 : vector<16xf32>
      %mul3A_106 = arith.mulf %sub3A_102, %sub3A_102 : vector<16xf32>
      %add3A_107 = arith.addf %add3A_105, %mul3A_106 : vector<16xf32>
      %add3A_108 = arith.constant 9.99999971E-10 : f32
      %add3A_109 = vector.broadcast %add3A_108 : f32 to vector<16xf32>
      %add3A_110 = arith.addf %add3A_107, %add3A_109 : vector<16xf32>
      %mul3A_111 = arith.constant 4.000000e-02 : f32
      %mul3A_112 = vector.broadcast %mul3A_111 : f32 to vector<16xf32>
      %mul3A_113 = arith.mulf %add3A_110, %mul3A_112 : vector<16xf32>
      %min3A_114 = arith.constant 1.000000e+00 : f32
      %min3A_115 = vector.broadcast %min3A_114 : f32 to vector<16xf32>
      %min3A_116 = arith.minimumf %mul3A_113, %min3A_115 : vector<16xf32>
      %broadcast_in_dim3A_117 = arith.constant 1.85971248E-6 : f32
      %broadcast_in_dim3A_118 = vector.broadcast %broadcast_in_dim3A_117 : f32 to vector<16xf32>
      %mul3A_119 = arith.mulf %broadcast_in_dim3A_118, %min3A_116 : vector<16xf32>
      %add3A_120 = arith.constant -5.17822955E-5 : f32
      %add3A_121 = vector.broadcast %add3A_120 : f32 to vector<16xf32>
      %add3A_122 = arith.addf %mul3A_119, %add3A_121 : vector<16xf32>
      %mul3A_123 = arith.mulf %add3A_122, %min3A_116 : vector<16xf32>
      %add3A_124 = arith.constant 9.64245526E-4 : f32
      %add3A_125 = vector.broadcast %add3A_124 : f32 to vector<16xf32>
      %add3A_126 = arith.addf %mul3A_123, %add3A_125 : vector<16xf32>
      %mul3A_127 = arith.mulf %add3A_126, %min3A_116 : vector<16xf32>
      %add3A_128 = arith.constant -0.0129031232 : f32
      %add3A_129 = vector.broadcast %add3A_128 : f32 to vector<16xf32>
      %add3A_130 = arith.addf %mul3A_127, %add3A_129 : vector<16xf32>
      %mul3A_131 = arith.mulf %add3A_130, %min3A_116 : vector<16xf32>
      %add3A_132 = arith.constant 0.117665201 : f32
      %add3A_133 = vector.broadcast %add3A_132 : f32 to vector<16xf32>
      %add3A_134 = arith.addf %mul3A_131, %add3A_133 : vector<16xf32>
      %mul3A_135 = arith.mulf %add3A_134, %min3A_116 : vector<16xf32>
      %add3A_136 = arith.constant -0.667631388 : f32
      %add3A_137 = vector.broadcast %add3A_136 : f32 to vector<16xf32>
      %add3A_138 = arith.addf %mul3A_135, %add3A_137 : vector<16xf32>
      %mul3A_139 = arith.mulf %add3A_138, %min3A_116 : vector<16xf32>
      %add3A_140 = arith.constant 2.029356 : f32
      %add3A_141 = vector.broadcast %add3A_140 : f32 to vector<16xf32>
      %add3A_142 = arith.addf %mul3A_139, %add3A_141 : vector<16xf32>
      %mul3A_143 = arith.mulf %add3A_142, %min3A_116 : vector<16xf32>
      %add3A_144 = arith.constant -2.46740103 : f32
      %add3A_145 = vector.broadcast %add3A_144 : f32 to vector<16xf32>
      %add3A_146 = arith.addf %mul3A_143, %add3A_145 : vector<16xf32>
      %mul3A_147 = arith.mulf %add3A_146, %min3A_116 : vector<16xf32>
      %add3A_148 = arith.constant 1.000000e+00 : f32
      %add3A_149 = vector.broadcast %add3A_148 : f32 to vector<16xf32>
      %add3A_150 = arith.addf %mul3A_147, %add3A_149 : vector<16xf32>
      %lt3A_151 = arith.constant 1.000000e+00 : f32
      %lt3A_152 = vector.broadcast %lt3A_151 : f32 to vector<16xf32>
      %lt3A_153 = arith.cmpf olt, %mul3A_113, %lt3A_152 : vector<16xf32>
      %jit3A_154 = arith.constant 0.000000e+00 : f32
      %broadcast_in_dim3A_155 = vector.broadcast %jit3A_154 : f32 to vector<16xf32>
      %select_n3A_156 = arith.select %lt3A_153, %add3A_150, %broadcast_in_dim3A_155 : vector<16xi1>, vector<16xf32>
      %add3A_157 = arith.addf %add3A_84, %select_n3A_156 : vector<16xf32>
      %mul3A_158 = arith.mulf %select_n3A_156, %sub3A_100 : vector<16xf32>
      %add3A_159 = arith.addf %add3A_86, %mul3A_158 : vector<16xf32>
      %mul3A_160 = arith.mulf %select_n3A_156, %sub3A_101 : vector<16xf32>
      %add3A_161 = arith.addf %add3A_88, %mul3A_160 : vector<16xf32>
      %mul3A_162 = arith.mulf %select_n3A_156, %sub3A_102 : vector<16xf32>
      %add3A_163 = arith.addf %add3A_90, %mul3A_162 : vector<16xf32>
      %mul3A_164 = arith.constant 16 : i32
      %mul3A_165 = arith.muli %scan3A_8, %mul3A_164 : i32
      %get3A_166 = arith.constant 2 : i32
      %get3A_167 = arith.index_cast %get3A_166 : i32 to index
      %get3A_168 = arith.index_cast %mul3A_165 : i32 to index
      %get3A_169 = tpu.vector_load %arg10[%get3A_167, %get3A_168] {strides = array<i32>} : memref<16x320xi32, #tpu.memory_space<vmem>>, vector<16xi32>,
      %gather3A_170 = tpu.vector_load_idx %arg7[%get3A_169] : memref<10240xf32, #tpu.memory_space<vmem>>[vector<16xi32>], vector<16xf32>,
      %gather3A_171 = tpu.vector_load_idx %arg8[%get3A_169] : memref<10240xf32, #tpu.memory_space<vmem>>[vector<16xi32>], vector<16xf32>,
      %gather3A_172 = tpu.vector_load_idx %arg9[%get3A_169] : memref<10240xf32, #tpu.memory_space<vmem>>[vector<16xi32>], vector<16xf32>,
      %sub3A_173 = arith.subf %gather3A_170, %get3A_12 : vector<16xf32>
      %sub3A_174 = arith.subf %gather3A_171, %get3A_14 : vector<16xf32>
      %sub3A_175 = arith.subf %gather3A_172, %get3A_16 : vector<16xf32>
      %mul3A_176 = arith.mulf %sub3A_173, %sub3A_173 : vector<16xf32>
      %mul3A_177 = arith.mulf %sub3A_174, %sub3A_174 : vector<16xf32>
      %add3A_178 = arith.addf %mul3A_176, %mul3A_177 : vector<16xf32>
      %mul3A_179 = arith.mulf %sub3A_175, %sub3A_175 : vector<16xf32>
      %add3A_180 = arith.addf %add3A_178, %mul3A_179 : vector<16xf32>
      %add3A_181 = arith.constant 9.99999971E-10 : f32
      %add3A_182 = vector.broadcast %add3A_181 : f32 to vector<16xf32>
      %add3A_183 = arith.addf %add3A_180, %add3A_182 : vector<16xf32>
      %mul3A_184 = arith.constant 4.000000e-02 : f32
      %mul3A_185 = vector.broadcast %mul3A_184 : f32 to vector<16xf32>
      %mul3A_186 = arith.mulf %add3A_183, %mul3A_185 : vector<16xf32>
      %min3A_187 = arith.constant 1.000000e+00 : f32
      %min3A_188 = vector.broadcast %min3A_187 : f32 to vector<16xf32>
      %min3A_189 = arith.minimumf %mul3A_186, %min3A_188 : vector<16xf32>
      %broadcast_in_dim3A_190 = arith.constant 1.85971248E-6 : f32
      %broadcast_in_dim3A_191 = vector.broadcast %broadcast_in_dim3A_190 : f32 to vector<16xf32>
      %mul3A_192 = arith.mulf %broadcast_in_dim3A_191, %min3A_189 : vector<16xf32>
      %add3A_193 = arith.constant -5.17822955E-5 : f32
      %add3A_194 = vector.broadcast %add3A_193 : f32 to vector<16xf32>
      %add3A_195 = arith.addf %mul3A_192, %add3A_194 : vector<16xf32>
      %mul3A_196 = arith.mulf %add3A_195, %min3A_189 : vector<16xf32>
      %add3A_197 = arith.constant 9.64245526E-4 : f32
      %add3A_198 = vector.broadcast %add3A_197 : f32 to vector<16xf32>
      %add3A_199 = arith.addf %mul3A_196, %add3A_198 : vector<16xf32>
      %mul3A_200 = arith.mulf %add3A_199, %min3A_189 : vector<16xf32>
      %add3A_201 = arith.constant -0.0129031232 : f32
      %add3A_202 = vector.broadcast %add3A_201 : f32 to vector<16xf32>
      %add3A_203 = arith.addf %mul3A_200, %add3A_202 : vector<16xf32>
      %mul3A_204 = arith.mulf %add3A_203, %min3A_189 : vector<16xf32>
      %add3A_205 = arith.constant 0.117665201 : f32
      %add3A_206 = vector.broadcast %add3A_205 : f32 to vector<16xf32>
      %add3A_207 = arith.addf %mul3A_204, %add3A_206 : vector<16xf32>
      %mul3A_208 = arith.mulf %add3A_207, %min3A_189 : vector<16xf32>
      %add3A_209 = arith.constant -0.667631388 : f32
      %add3A_210 = vector.broadcast %add3A_209 : f32 to vector<16xf32>
      %add3A_211 = arith.addf %mul3A_208, %add3A_210 : vector<16xf32>
      %mul3A_212 = arith.mulf %add3A_211, %min3A_189 : vector<16xf32>
      %add3A_213 = arith.constant 2.029356 : f32
      %add3A_214 = vector.broadcast %add3A_213 : f32 to vector<16xf32>
      %add3A_215 = arith.addf %mul3A_212, %add3A_214 : vector<16xf32>
      %mul3A_216 = arith.mulf %add3A_215, %min3A_189 : vector<16xf32>
      %add3A_217 = arith.constant -2.46740103 : f32
      %add3A_218 = vector.broadcast %add3A_217 : f32 to vector<16xf32>
      %add3A_219 = arith.addf %mul3A_216, %add3A_218 : vector<16xf32>
      %mul3A_220 = arith.mulf %add3A_219, %min3A_189 : vector<16xf32>
      %add3A_221 = arith.constant 1.000000e+00 : f32
      %add3A_222 = vector.broadcast %add3A_221 : f32 to vector<16xf32>
      %add3A_223 = arith.addf %mul3A_220, %add3A_222 : vector<16xf32>
      %lt3A_224 = arith.constant 1.000000e+00 : f32
      %lt3A_225 = vector.broadcast %lt3A_224 : f32 to vector<16xf32>
      %lt3A_226 = arith.cmpf olt, %mul3A_186, %lt3A_225 : vector<16xf32>
      %jit3A_227 = arith.constant 0.000000e+00 : f32
      %broadcast_in_dim3A_228 = vector.broadcast %jit3A_227 : f32 to vector<16xf32>
      %select_n3A_229 = arith.select %lt3A_226, %add3A_223, %broadcast_in_dim3A_228 : vector<16xi1>, vector<16xf32>
      %add3A_230 = arith.addf %add3A_157, %select_n3A_229 : vector<16xf32>
      %mul3A_231 = arith.mulf %select_n3A_229, %sub3A_173 : vector<16xf32>
      %add3A_232 = arith.addf %add3A_159, %mul3A_231 : vector<16xf32>
      %mul3A_233 = arith.mulf %select_n3A_229, %sub3A_174 : vector<16xf32>
      %add3A_234 = arith.addf %add3A_161, %mul3A_233 : vector<16xf32>
      %mul3A_235 = arith.mulf %select_n3A_229, %sub3A_175 : vector<16xf32>
      %add3A_236 = arith.addf %add3A_163, %mul3A_235 : vector<16xf32>
      %mul3A_237 = arith.constant 16 : i32
      %mul3A_238 = arith.muli %scan3A_8, %mul3A_237 : i32
      %get3A_239 = arith.constant 3 : i32
      %get3A_240 = arith.index_cast %get3A_239 : i32 to index
      %get3A_241 = arith.index_cast %mul3A_238 : i32 to index
      %get3A_242 = tpu.vector_load %arg10[%get3A_240, %get3A_241] {strides = array<i32>} : memref<16x320xi32, #tpu.memory_space<vmem>>, vector<16xi32>,
      %gather3A_243 = tpu.vector_load_idx %arg7[%get3A_242] : memref<10240xf32, #tpu.memory_space<vmem>>[vector<16xi32>], vector<16xf32>,
      %gather3A_244 = tpu.vector_load_idx %arg8[%get3A_242] : memref<10240xf32, #tpu.memory_space<vmem>>[vector<16xi32>], vector<16xf32>,
      %gather3A_245 = tpu.vector_load_idx %arg9[%get3A_242] : memref<10240xf32, #tpu.memory_space<vmem>>[vector<16xi32>], vector<16xf32>,
      %sub3A_246 = arith.subf %gather3A_243, %get3A_12 : vector<16xf32>
      %sub3A_247 = arith.subf %gather3A_244, %get3A_14 : vector<16xf32>
      %sub3A_248 = arith.subf %gather3A_245, %get3A_16 : vector<16xf32>
      %mul3A_249 = arith.mulf %sub3A_246, %sub3A_246 : vector<16xf32>
      %mul3A_250 = arith.mulf %sub3A_247, %sub3A_247 : vector<16xf32>
      %add3A_251 = arith.addf %mul3A_249, %mul3A_250 : vector<16xf32>
      %mul3A_252 = arith.mulf %sub3A_248, %sub3A_248 : vector<16xf32>
      %add3A_253 = arith.addf %add3A_251, %mul3A_252 : vector<16xf32>
      %add3A_254 = arith.constant 9.99999971E-10 : f32
      %add3A_255 = vector.broadcast %add3A_254 : f32 to vector<16xf32>
      %add3A_256 = arith.addf %add3A_253, %add3A_255 : vector<16xf32>
      %mul3A_257 = arith.constant 4.000000e-02 : f32
      %mul3A_258 = vector.broadcast %mul3A_257 : f32 to vector<16xf32>
      %mul3A_259 = arith.mulf %add3A_256, %mul3A_258 : vector<16xf32>
      %min3A_260 = arith.constant 1.000000e+00 : f32
      %min3A_261 = vector.broadcast %min3A_260 : f32 to vector<16xf32>
      %min3A_262 = arith.minimumf %mul3A_259, %min3A_261 : vector<16xf32>
      %broadcast_in_dim3A_263 = arith.constant 1.85971248E-6 : f32
      %broadcast_in_dim3A_264 = vector.broadcast %broadcast_in_dim3A_263 : f32 to vector<16xf32>
      %mul3A_265 = arith.mulf %broadcast_in_dim3A_264, %min3A_262 : vector<16xf32>
      %add3A_266 = arith.constant -5.17822955E-5 : f32
      %add3A_267 = vector.broadcast %add3A_266 : f32 to vector<16xf32>
      %add3A_268 = arith.addf %mul3A_265, %add3A_267 : vector<16xf32>
      %mul3A_269 = arith.mulf %add3A_268, %min3A_262 : vector<16xf32>
      %add3A_270 = arith.constant 9.64245526E-4 : f32
      %add3A_271 = vector.broadcast %add3A_270 : f32 to vector<16xf32>
      %add3A_272 = arith.addf %mul3A_269, %add3A_271 : vector<16xf32>
      %mul3A_273 = arith.mulf %add3A_272, %min3A_262 : vector<16xf32>
      %add3A_274 = arith.constant -0.0129031232 : f32
      %add3A_275 = vector.broadcast %add3A_274 : f32 to vector<16xf32>
      %add3A_276 = arith.addf %mul3A_273, %add3A_275 : vector<16xf32>
      %mul3A_277 = arith.mulf %add3A_276, %min3A_262 : vector<16xf32>
      %add3A_278 = arith.constant 0.117665201 : f32
      %add3A_279 = vector.broadcast %add3A_278 : f32 to vector<16xf32>
      %add3A_280 = arith.addf %mul3A_277, %add3A_279 : vector<16xf32>
      %mul3A_281 = arith.mulf %add3A_280, %min3A_262 : vector<16xf32>
      %add3A_282 = arith.constant -0.667631388 : f32
      %add3A_283 = vector.broadcast %add3A_282 : f32 to vector<16xf32>
      %add3A_284 = arith.addf %mul3A_281, %add3A_283 : vector<16xf32>
      %mul3A_285 = arith.mulf %add3A_284, %min3A_262 : vector<16xf32>
      %add3A_286 = arith.constant 2.029356 : f32
      %add3A_287 = vector.broadcast %add3A_286 : f32 to vector<16xf32>
      %add3A_288 = arith.addf %mul3A_285, %add3A_287 : vector<16xf32>
      %mul3A_289 = arith.mulf %add3A_288, %min3A_262 : vector<16xf32>
      %add3A_290 = arith.constant -2.46740103 : f32
      %add3A_291 = vector.broadcast %add3A_290 : f32 to vector<16xf32>
      %add3A_292 = arith.addf %mul3A_289, %add3A_291 : vector<16xf32>
      %mul3A_293 = arith.mulf %add3A_292, %min3A_262 : vector<16xf32>
      %add3A_294 = arith.constant 1.000000e+00 : f32
      %add3A_295 = vector.broadcast %add3A_294 : f32 to vector<16xf32>
      %add3A_296 = arith.addf %mul3A_293, %add3A_295 : vector<16xf32>
      %lt3A_297 = arith.constant 1.000000e+00 : f32
      %lt3A_298 = vector.broadcast %lt3A_297 : f32 to vector<16xf32>
      %lt3A_299 = arith.cmpf olt, %mul3A_259, %lt3A_298 : vector<16xf32>
      %jit3A_300 = arith.constant 0.000000e+00 : f32
      %broadcast_in_dim3A_301 = vector.broadcast %jit3A_300 : f32 to vector<16xf32>
      %select_n3A_302 = arith.select %lt3A_299, %add3A_296, %broadcast_in_dim3A_301 : vector<16xi1>, vector<16xf32>
      %add3A_303 = arith.addf %add3A_230, %select_n3A_302 : vector<16xf32>
      %mul3A_304 = arith.mulf %select_n3A_302, %sub3A_246 : vector<16xf32>
      %add3A_305 = arith.addf %add3A_232, %mul3A_304 : vector<16xf32>
      %mul3A_306 = arith.mulf %select_n3A_302, %sub3A_247 : vector<16xf32>
      %add3A_307 = arith.addf %add3A_234, %mul3A_306 : vector<16xf32>
      %mul3A_308 = arith.mulf %select_n3A_302, %sub3A_248 : vector<16xf32>
      %add3A_309 = arith.addf %add3A_236, %mul3A_308 : vector<16xf32>
      %mul3A_310 = arith.constant 16 : i32
      %mul3A_311 = arith.muli %scan3A_8, %mul3A_310 : i32
      %get3A_312 = arith.constant 4 : i32
      %get3A_313 = arith.index_cast %get3A_312 : i32 to index
      %get3A_314 = arith.index_cast %mul3A_311 : i32 to index
      %get3A_315 = tpu.vector_load %arg10[%get3A_313, %get3A_314] {strides = array<i32>} : memref<16x320xi32, #tpu.memory_space<vmem>>, vector<16xi32>,
      %gather3A_316 = tpu.vector_load_idx %arg7[%get3A_315] : memref<10240xf32, #tpu.memory_space<vmem>>[vector<16xi32>], vector<16xf32>,
      %gather3A_317 = tpu.vector_load_idx %arg8[%get3A_315] : memref<10240xf32, #tpu.memory_space<vmem>>[vector<16xi32>], vector<16xf32>,
      %gather3A_318 = tpu.vector_load_idx %arg9[%get3A_315] : memref<10240xf32, #tpu.memory_space<vmem>>[vector<16xi32>], vector<16xf32>,
      %sub3A_319 = arith.subf %gather3A_316, %get3A_12 : vector<16xf32>
      %sub3A_320 = arith.subf %gather3A_317, %get3A_14 : vector<16xf32>
      %sub3A_321 = arith.subf %gather3A_318, %get3A_16 : vector<16xf32>
      %mul3A_322 = arith.mulf %sub3A_319, %sub3A_319 : vector<16xf32>
      %mul3A_323 = arith.mulf %sub3A_320, %sub3A_320 : vector<16xf32>
      %add3A_324 = arith.addf %mul3A_322, %mul3A_323 : vector<16xf32>
      %mul3A_325 = arith.mulf %sub3A_321, %sub3A_321 : vector<16xf32>
      %add3A_326 = arith.addf %add3A_324, %mul3A_325 : vector<16xf32>
      %add3A_327 = arith.constant 9.99999971E-10 : f32
      %add3A_328 = vector.broadcast %add3A_327 : f32 to vector<16xf32>
      %add3A_329 = arith.addf %add3A_326, %add3A_328 : vector<16xf32>
      %mul3A_330 = arith.constant 4.000000e-02 : f32
      %mul3A_331 = vector.broadcast %mul3A_330 : f32 to vector<16xf32>
      %mul3A_332 = arith.mulf %add3A_329, %mul3A_331 : vector<16xf32>
      %min3A_333 = arith.constant 1.000000e+00 : f32
      %min3A_334 = vector.broadcast %min3A_333 : f32 to vector<16xf32>
      %min3A_335 = arith.minimumf %mul3A_332, %min3A_334 : vector<16xf32>
      %broadcast_in_dim3A_336 = arith.constant 1.85971248E-6 : f32
      %broadcast_in_dim3A_337 = vector.broadcast %broadcast_in_dim3A_336 : f32 to vector<16xf32>
      %mul3A_338 = arith.mulf %broadcast_in_dim3A_337, %min3A_335 : vector<16xf32>
      %add3A_339 = arith.constant -5.17822955E-5 : f32
      %add3A_340 = vector.broadcast %add3A_339 : f32 to vector<16xf32>
      %add3A_341 = arith.addf %mul3A_338, %add3A_340 : vector<16xf32>
      %mul3A_342 = arith.mulf %add3A_341, %min3A_335 : vector<16xf32>
      %add3A_343 = arith.constant 9.64245526E-4 : f32
      %add3A_344 = vector.broadcast %add3A_343 : f32 to vector<16xf32>
      %add3A_345 = arith.addf %mul3A_342, %add3A_344 : vector<16xf32>
      %mul3A_346 = arith.mulf %add3A_345, %min3A_335 : vector<16xf32>
      %add3A_347 = arith.constant -0.0129031232 : f32
      %add3A_348 = vector.broadcast %add3A_347 : f32 to vector<16xf32>
      %add3A_349 = arith.addf %mul3A_346, %add3A_348 : vector<16xf32>
      %mul3A_350 = arith.mulf %add3A_349, %min3A_335 : vector<16xf32>
      %add3A_351 = arith.constant 0.117665201 : f32
      %add3A_352 = vector.broadcast %add3A_351 : f32 to vector<16xf32>
      %add3A_353 = arith.addf %mul3A_350, %add3A_352 : vector<16xf32>
      %mul3A_354 = arith.mulf %add3A_353, %min3A_335 : vector<16xf32>
      %add3A_355 = arith.constant -0.667631388 : f32
      %add3A_356 = vector.broadcast %add3A_355 : f32 to vector<16xf32>
      %add3A_357 = arith.addf %mul3A_354, %add3A_356 : vector<16xf32>
      %mul3A_358 = arith.mulf %add3A_357, %min3A_335 : vector<16xf32>
      %add3A_359 = arith.constant 2.029356 : f32
      %add3A_360 = vector.broadcast %add3A_359 : f32 to vector<16xf32>
      %add3A_361 = arith.addf %mul3A_358, %add3A_360 : vector<16xf32>
      %mul3A_362 = arith.mulf %add3A_361, %min3A_335 : vector<16xf32>
      %add3A_363 = arith.constant -2.46740103 : f32
      %add3A_364 = vector.broadcast %add3A_363 : f32 to vector<16xf32>
      %add3A_365 = arith.addf %mul3A_362, %add3A_364 : vector<16xf32>
      %mul3A_366 = arith.mulf %add3A_365, %min3A_335 : vector<16xf32>
      %add3A_367 = arith.constant 1.000000e+00 : f32
      %add3A_368 = vector.broadcast %add3A_367 : f32 to vector<16xf32>
      %add3A_369 = arith.addf %mul3A_366, %add3A_368 : vector<16xf32>
      %lt3A_370 = arith.constant 1.000000e+00 : f32
      %lt3A_371 = vector.broadcast %lt3A_370 : f32 to vector<16xf32>
      %lt3A_372 = arith.cmpf olt, %mul3A_332, %lt3A_371 : vector<16xf32>
      %jit3A_373 = arith.constant 0.000000e+00 : f32
      %broadcast_in_dim3A_374 = vector.broadcast %jit3A_373 : f32 to vector<16xf32>
      %select_n3A_375 = arith.select %lt3A_372, %add3A_369, %broadcast_in_dim3A_374 : vector<16xi1>, vector<16xf32>
      %add3A_376 = arith.addf %add3A_303, %select_n3A_375 : vector<16xf32>
      %mul3A_377 = arith.mulf %select_n3A_375, %sub3A_319 : vector<16xf32>
      %add3A_378 = arith.addf %add3A_305, %mul3A_377 : vector<16xf32>
      %mul3A_379 = arith.mulf %select_n3A_375, %sub3A_320 : vector<16xf32>
      %add3A_380 = arith.addf %add3A_307, %mul3A_379 : vector<16xf32>
      %mul3A_381 = arith.mulf %select_n3A_375, %sub3A_321 : vector<16xf32>
      %add3A_382 = arith.addf %add3A_309, %mul3A_381 : vector<16xf32>
      %mul3A_383 = arith.constant 16 : i32
      %mul3A_384 = arith.muli %scan3A_8, %mul3A_383 : i32
      %get3A_385 = arith.constant 5 : i32
      %get3A_386 = arith.index_cast %get3A_385 : i32 to index
      %get3A_387 = arith.index_cast %mul3A_384 : i32 to index
      %get3A_388 = tpu.vector_load %arg10[%get3A_386, %get3A_387] {strides = array<i32>} : memref<16x320xi32, #tpu.memory_space<vmem>>, vector<16xi32>,
      %gather3A_389 = tpu.vector_load_idx %arg7[%get3A_388] : memref<10240xf32, #tpu.memory_space<vmem>>[vector<16xi32>], vector<16xf32>,
      %gather3A_390 = tpu.vector_load_idx %arg8[%get3A_388] : memref<10240xf32, #tpu.memory_space<vmem>>[vector<16xi32>], vector<16xf32>,
      %gather3A_391 = tpu.vector_load_idx %arg9[%get3A_388] : memref<10240xf32, #tpu.memory_space<vmem>>[vector<16xi32>], vector<16xf32>,
      %sub3A_392 = arith.subf %gather3A_389, %get3A_12 : vector<16xf32>
      %sub3A_393 = arith.subf %gather3A_390, %get3A_14 : vector<16xf32>
      %sub3A_394 = arith.subf %gather3A_391, %get3A_16 : vector<16xf32>
      %mul3A_395 = arith.mulf %sub3A_392, %sub3A_392 : vector<16xf32>
      %mul3A_396 = arith.mulf %sub3A_393, %sub3A_393 : vector<16xf32>
      %add3A_397 = arith.addf %mul3A_395, %mul3A_396 : vector<16xf32>
      %mul3A_398 = arith.mulf %sub3A_394, %sub3A_394 : vector<16xf32>
      %add3A_399 = arith.addf %add3A_397, %mul3A_398 : vector<16xf32>
      %add3A_400 = arith.constant 9.99999971E-10 : f32
      %add3A_401 = vector.broadcast %add3A_400 : f32 to vector<16xf32>
      %add3A_402 = arith.addf %add3A_399, %add3A_401 : vector<16xf32>
      %mul3A_403 = arith.constant 4.000000e-02 : f32
      %mul3A_404 = vector.broadcast %mul3A_403 : f32 to vector<16xf32>
      %mul3A_405 = arith.mulf %add3A_402, %mul3A_404 : vector<16xf32>
      %min3A_406 = arith.constant 1.000000e+00 : f32
      %min3A_407 = vector.broadcast %min3A_406 : f32 to vector<16xf32>
      %min3A_408 = arith.minimumf %mul3A_405, %min3A_407 : vector<16xf32>
      %broadcast_in_dim3A_409 = arith.constant 1.85971248E-6 : f32
      %broadcast_in_dim3A_410 = vector.broadcast %broadcast_in_dim3A_409 : f32 to vector<16xf32>
      %mul3A_411 = arith.mulf %broadcast_in_dim3A_410, %min3A_408 : vector<16xf32>
      %add3A_412 = arith.constant -5.17822955E-5 : f32
      %add3A_413 = vector.broadcast %add3A_412 : f32 to vector<16xf32>
      %add3A_414 = arith.addf %mul3A_411, %add3A_413 : vector<16xf32>
      %mul3A_415 = arith.mulf %add3A_414, %min3A_408 : vector<16xf32>
      %add3A_416 = arith.constant 9.64245526E-4 : f32
      %add3A_417 = vector.broadcast %add3A_416 : f32 to vector<16xf32>
      %add3A_418 = arith.addf %mul3A_415, %add3A_417 : vector<16xf32>
      %mul3A_419 = arith.mulf %add3A_418, %min3A_408 : vector<16xf32>
      %add3A_420 = arith.constant -0.0129031232 : f32
      %add3A_421 = vector.broadcast %add3A_420 : f32 to vector<16xf32>
      %add3A_422 = arith.addf %mul3A_419, %add3A_421 : vector<16xf32>
      %mul3A_423 = arith.mulf %add3A_422, %min3A_408 : vector<16xf32>
      %add3A_424 = arith.constant 0.117665201 : f32
      %add3A_425 = vector.broadcast %add3A_424 : f32 to vector<16xf32>
      %add3A_426 = arith.addf %mul3A_423, %add3A_425 : vector<16xf32>
      %mul3A_427 = arith.mulf %add3A_426, %min3A_408 : vector<16xf32>
      %add3A_428 = arith.constant -0.667631388 : f32
      %add3A_429 = vector.broadcast %add3A_428 : f32 to vector<16xf32>
      %add3A_430 = arith.addf %mul3A_427, %add3A_429 : vector<16xf32>
      %mul3A_431 = arith.mulf %add3A_430, %min3A_408 : vector<16xf32>
      %add3A_432 = arith.constant 2.029356 : f32
      %add3A_433 = vector.broadcast %add3A_432 : f32 to vector<16xf32>
      %add3A_434 = arith.addf %mul3A_431, %add3A_433 : vector<16xf32>
      %mul3A_435 = arith.mulf %add3A_434, %min3A_408 : vector<16xf32>
      %add3A_436 = arith.constant -2.46740103 : f32
      %add3A_437 = vector.broadcast %add3A_436 : f32 to vector<16xf32>
      %add3A_438 = arith.addf %mul3A_435, %add3A_437 : vector<16xf32>
      %mul3A_439 = arith.mulf %add3A_438, %min3A_408 : vector<16xf32>
      %add3A_440 = arith.constant 1.000000e+00 : f32
      %add3A_441 = vector.broadcast %add3A_440 : f32 to vector<16xf32>
      %add3A_442 = arith.addf %mul3A_439, %add3A_441 : vector<16xf32>
      %lt3A_443 = arith.constant 1.000000e+00 : f32
      %lt3A_444 = vector.broadcast %lt3A_443 : f32 to vector<16xf32>
      %lt3A_445 = arith.cmpf olt, %mul3A_405, %lt3A_444 : vector<16xf32>
      %jit3A_446 = arith.constant 0.000000e+00 : f32
      %broadcast_in_dim3A_447 = vector.broadcast %jit3A_446 : f32 to vector<16xf32>
      %select_n3A_448 = arith.select %lt3A_445, %add3A_442, %broadcast_in_dim3A_447 : vector<16xi1>, vector<16xf32>
      %add3A_449 = arith.addf %add3A_376, %select_n3A_448 : vector<16xf32>
      %mul3A_450 = arith.mulf %select_n3A_448, %sub3A_392 : vector<16xf32>
      %add3A_451 = arith.addf %add3A_378, %mul3A_450 : vector<16xf32>
      %mul3A_452 = arith.mulf %select_n3A_448, %sub3A_393 : vector<16xf32>
      %add3A_453 = arith.addf %add3A_380, %mul3A_452 : vector<16xf32>
      %mul3A_454 = arith.mulf %select_n3A_448, %sub3A_394 : vector<16xf32>
      %add3A_455 = arith.addf %add3A_382, %mul3A_454 : vector<16xf32>
      %mul3A_456 = arith.constant 16 : i32
      %mul3A_457 = arith.muli %scan3A_8, %mul3A_456 : i32
      %get3A_458 = arith.constant 6 : i32
      %get3A_459 = arith.index_cast %get3A_458 : i32 to index
      %get3A_460 = arith.index_cast %mul3A_457 : i32 to index
      %get3A_461 = tpu.vector_load %arg10[%get3A_459, %get3A_460] {strides = array<i32>} : memref<16x320xi32, #tpu.memory_space<vmem>>, vector<16xi32>,
      %gather3A_462 = tpu.vector_load_idx %arg7[%get3A_461] : memref<10240xf32, #tpu.memory_space<vmem>>[vector<16xi32>], vector<16xf32>,
      %gather3A_463 = tpu.vector_load_idx %arg8[%get3A_461] : memref<10240xf32, #tpu.memory_space<vmem>>[vector<16xi32>], vector<16xf32>,
      %gather3A_464 = tpu.vector_load_idx %arg9[%get3A_461] : memref<10240xf32, #tpu.memory_space<vmem>>[vector<16xi32>], vector<16xf32>,
      %sub3A_465 = arith.subf %gather3A_462, %get3A_12 : vector<16xf32>
      %sub3A_466 = arith.subf %gather3A_463, %get3A_14 : vector<16xf32>
      %sub3A_467 = arith.subf %gather3A_464, %get3A_16 : vector<16xf32>
      %mul3A_468 = arith.mulf %sub3A_465, %sub3A_465 : vector<16xf32>
      %mul3A_469 = arith.mulf %sub3A_466, %sub3A_466 : vector<16xf32>
      %add3A_470 = arith.addf %mul3A_468, %mul3A_469 : vector<16xf32>
      %mul3A_471 = arith.mulf %sub3A_467, %sub3A_467 : vector<16xf32>
      %add3A_472 = arith.addf %add3A_470, %mul3A_471 : vector<16xf32>
      %add3A_473 = arith.constant 9.99999971E-10 : f32
      %add3A_474 = vector.broadcast %add3A_473 : f32 to vector<16xf32>
      %add3A_475 = arith.addf %add3A_472, %add3A_474 : vector<16xf32>
      %mul3A_476 = arith.constant 4.000000e-02 : f32
      %mul3A_477 = vector.broadcast %mul3A_476 : f32 to vector<16xf32>
      %mul3A_478 = arith.mulf %add3A_475, %mul3A_477 : vector<16xf32>
      %min3A_479 = arith.constant 1.000000e+00 : f32
      %min3A_480 = vector.broadcast %min3A_479 : f32 to vector<16xf32>
      %min3A_481 = arith.minimumf %mul3A_478, %min3A_480 : vector<16xf32>
      %broadcast_in_dim3A_482 = arith.constant 1.85971248E-6 : f32
      %broadcast_in_dim3A_483 = vector.broadcast %broadcast_in_dim3A_482 : f32 to vector<16xf32>
      %mul3A_484 = arith.mulf %broadcast_in_dim3A_483, %min3A_481 : vector<16xf32>
      %add3A_485 = arith.constant -5.17822955E-5 : f32
      %add3A_486 = vector.broadcast %add3A_485 : f32 to vector<16xf32>
      %add3A_487 = arith.addf %mul3A_484, %add3A_486 : vector<16xf32>
      %mul3A_488 = arith.mulf %add3A_487, %min3A_481 : vector<16xf32>
      %add3A_489 = arith.constant 9.64245526E-4 : f32
      %add3A_490 = vector.broadcast %add3A_489 : f32 to vector<16xf32>
      %add3A_491 = arith.addf %mul3A_488, %add3A_490 : vector<16xf32>
      %mul3A_492 = arith.mulf %add3A_491, %min3A_481 : vector<16xf32>
      %add3A_493 = arith.constant -0.0129031232 : f32
      %add3A_494 = vector.broadcast %add3A_493 : f32 to vector<16xf32>
      %add3A_495 = arith.addf %mul3A_492, %add3A_494 : vector<16xf32>
      %mul3A_496 = arith.mulf %add3A_495, %min3A_481 : vector<16xf32>
      %add3A_497 = arith.constant 0.117665201 : f32
      %add3A_498 = vector.broadcast %add3A_497 : f32 to vector<16xf32>
      %add3A_499 = arith.addf %mul3A_496, %add3A_498 : vector<16xf32>
      %mul3A_500 = arith.mulf %add3A_499, %min3A_481 : vector<16xf32>
      %add3A_501 = arith.constant -0.667631388 : f32
      %add3A_502 = vector.broadcast %add3A_501 : f32 to vector<16xf32>
      %add3A_503 = arith.addf %mul3A_500, %add3A_502 : vector<16xf32>
      %mul3A_504 = arith.mulf %add3A_503, %min3A_481 : vector<16xf32>
      %add3A_505 = arith.constant 2.029356 : f32
      %add3A_506 = vector.broadcast %add3A_505 : f32 to vector<16xf32>
      %add3A_507 = arith.addf %mul3A_504, %add3A_506 : vector<16xf32>
      %mul3A_508 = arith.mulf %add3A_507, %min3A_481 : vector<16xf32>
      %add3A_509 = arith.constant -2.46740103 : f32
      %add3A_510 = vector.broadcast %add3A_509 : f32 to vector<16xf32>
      %add3A_511 = arith.addf %mul3A_508, %add3A_510 : vector<16xf32>
      %mul3A_512 = arith.mulf %add3A_511, %min3A_481 : vector<16xf32>
      %add3A_513 = arith.constant 1.000000e+00 : f32
      %add3A_514 = vector.broadcast %add3A_513 : f32 to vector<16xf32>
      %add3A_515 = arith.addf %mul3A_512, %add3A_514 : vector<16xf32>
      %lt3A_516 = arith.constant 1.000000e+00 : f32
      %lt3A_517 = vector.broadcast %lt3A_516 : f32 to vector<16xf32>
      %lt3A_518 = arith.cmpf olt, %mul3A_478, %lt3A_517 : vector<16xf32>
      %jit3A_519 = arith.constant 0.000000e+00 : f32
      %broadcast_in_dim3A_520 = vector.broadcast %jit3A_519 : f32 to vector<16xf32>
      %select_n3A_521 = arith.select %lt3A_518, %add3A_515, %broadcast_in_dim3A_520 : vector<16xi1>, vector<16xf32>
      %add3A_522 = arith.addf %add3A_449, %select_n3A_521 : vector<16xf32>
      %mul3A_523 = arith.mulf %select_n3A_521, %sub3A_465 : vector<16xf32>
      %add3A_524 = arith.addf %add3A_451, %mul3A_523 : vector<16xf32>
      %mul3A_525 = arith.mulf %select_n3A_521, %sub3A_466 : vector<16xf32>
      %add3A_526 = arith.addf %add3A_453, %mul3A_525 : vector<16xf32>
      %mul3A_527 = arith.mulf %select_n3A_521, %sub3A_467 : vector<16xf32>
      %add3A_528 = arith.addf %add3A_455, %mul3A_527 : vector<16xf32>
      %mul3A_529 = arith.constant 16 : i32
      %mul3A_530 = arith.muli %scan3A_8, %mul3A_529 : i32
      %get3A_531 = arith.constant 7 : i32
      %get3A_532 = arith.index_cast %get3A_531 : i32 to index
      %get3A_533 = arith.index_cast %mul3A_530 : i32 to index
      %get3A_534 = tpu.vector_load %arg10[%get3A_532, %get3A_533] {strides = array<i32>} : memref<16x320xi32, #tpu.memory_space<vmem>>, vector<16xi32>,
      %gather3A_535 = tpu.vector_load_idx %arg7[%get3A_534] : memref<10240xf32, #tpu.memory_space<vmem>>[vector<16xi32>], vector<16xf32>,
      %gather3A_536 = tpu.vector_load_idx %arg8[%get3A_534] : memref<10240xf32, #tpu.memory_space<vmem>>[vector<16xi32>], vector<16xf32>,
      %gather3A_537 = tpu.vector_load_idx %arg9[%get3A_534] : memref<10240xf32, #tpu.memory_space<vmem>>[vector<16xi32>], vector<16xf32>,
      %sub3A_538 = arith.subf %gather3A_535, %get3A_12 : vector<16xf32>
      %sub3A_539 = arith.subf %gather3A_536, %get3A_14 : vector<16xf32>
      %sub3A_540 = arith.subf %gather3A_537, %get3A_16 : vector<16xf32>
      %mul3A_541 = arith.mulf %sub3A_538, %sub3A_538 : vector<16xf32>
      %mul3A_542 = arith.mulf %sub3A_539, %sub3A_539 : vector<16xf32>
      %add3A_543 = arith.addf %mul3A_541, %mul3A_542 : vector<16xf32>
      %mul3A_544 = arith.mulf %sub3A_540, %sub3A_540 : vector<16xf32>
      %add3A_545 = arith.addf %add3A_543, %mul3A_544 : vector<16xf32>
      %add3A_546 = arith.constant 9.99999971E-10 : f32
      %add3A_547 = vector.broadcast %add3A_546 : f32 to vector<16xf32>
      %add3A_548 = arith.addf %add3A_545, %add3A_547 : vector<16xf32>
      %mul3A_549 = arith.constant 4.000000e-02 : f32
      %mul3A_550 = vector.broadcast %mul3A_549 : f32 to vector<16xf32>
      %mul3A_551 = arith.mulf %add3A_548, %mul3A_550 : vector<16xf32>
      %min3A_552 = arith.constant 1.000000e+00 : f32
      %min3A_553 = vector.broadcast %min3A_552 : f32 to vector<16xf32>
      %min3A_554 = arith.minimumf %mul3A_551, %min3A_553 : vector<16xf32>
      %broadcast_in_dim3A_555 = arith.constant 1.85971248E-6 : f32
      %broadcast_in_dim3A_556 = vector.broadcast %broadcast_in_dim3A_555 : f32 to vector<16xf32>
      %mul3A_557 = arith.mulf %broadcast_in_dim3A_556, %min3A_554 : vector<16xf32>
      %add3A_558 = arith.constant -5.17822955E-5 : f32
      %add3A_559 = vector.broadcast %add3A_558 : f32 to vector<16xf32>
      %add3A_560 = arith.addf %mul3A_557, %add3A_559 : vector<16xf32>
      %mul3A_561 = arith.mulf %add3A_560, %min3A_554 : vector<16xf32>
      %add3A_562 = arith.constant 9.64245526E-4 : f32
      %add3A_563 = vector.broadcast %add3A_562 : f32 to vector<16xf32>
      %add3A_564 = arith.addf %mul3A_561, %add3A_563 : vector<16xf32>
      %mul3A_565 = arith.mulf %add3A_564, %min3A_554 : vector<16xf32>
      %add3A_566 = arith.constant -0.0129031232 : f32
      %add3A_567 = vector.broadcast %add3A_566 : f32 to vector<16xf32>
      %add3A_568 = arith.addf %mul3A_565, %add3A_567 : vector<16xf32>
      %mul3A_569 = arith.mulf %add3A_568, %min3A_554 : vector<16xf32>
      %add3A_570 = arith.constant 0.117665201 : f32
      %add3A_571 = vector.broadcast %add3A_570 : f32 to vector<16xf32>
      %add3A_572 = arith.addf %mul3A_569, %add3A_571 : vector<16xf32>
      %mul3A_573 = arith.mulf %add3A_572, %min3A_554 : vector<16xf32>
      %add3A_574 = arith.constant -0.667631388 : f32
      %add3A_575 = vector.broadcast %add3A_574 : f32 to vector<16xf32>
      %add3A_576 = arith.addf %mul3A_573, %add3A_575 : vector<16xf32>
      %mul3A_577 = arith.mulf %add3A_576, %min3A_554 : vector<16xf32>
      %add3A_578 = arith.constant 2.029356 : f32
      %add3A_579 = vector.broadcast %add3A_578 : f32 to vector<16xf32>
      %add3A_580 = arith.addf %mul3A_577, %add3A_579 : vector<16xf32>
      %mul3A_581 = arith.mulf %add3A_580, %min3A_554 : vector<16xf32>
      %add3A_582 = arith.constant -2.46740103 : f32
      %add3A_583 = vector.broadcast %add3A_582 : f32 to vector<16xf32>
      %add3A_584 = arith.addf %mul3A_581, %add3A_583 : vector<16xf32>
      %mul3A_585 = arith.mulf %add3A_584, %min3A_554 : vector<16xf32>
      %add3A_586 = arith.constant 1.000000e+00 : f32
      %add3A_587 = vector.broadcast %add3A_586 : f32 to vector<16xf32>
      %add3A_588 = arith.addf %mul3A_585, %add3A_587 : vector<16xf32>
      %lt3A_589 = arith.constant 1.000000e+00 : f32
      %lt3A_590 = vector.broadcast %lt3A_589 : f32 to vector<16xf32>
      %lt3A_591 = arith.cmpf olt, %mul3A_551, %lt3A_590 : vector<16xf32>
      %jit3A_592 = arith.constant 0.000000e+00 : f32
      %broadcast_in_dim3A_593 = vector.broadcast %jit3A_592 : f32 to vector<16xf32>
      %select_n3A_594 = arith.select %lt3A_591, %add3A_588, %broadcast_in_dim3A_593 : vector<16xi1>, vector<16xf32>
      %add3A_595 = arith.addf %add3A_522, %select_n3A_594 : vector<16xf32>
      %mul3A_596 = arith.mulf %select_n3A_594, %sub3A_538 : vector<16xf32>
      %add3A_597 = arith.addf %add3A_524, %mul3A_596 : vector<16xf32>
      %mul3A_598 = arith.mulf %select_n3A_594, %sub3A_539 : vector<16xf32>
      %add3A_599 = arith.addf %add3A_526, %mul3A_598 : vector<16xf32>
      %mul3A_600 = arith.mulf %select_n3A_594, %sub3A_540 : vector<16xf32>
      %add3A_601 = arith.addf %add3A_528, %mul3A_600 : vector<16xf32>
      %mul3A_602 = arith.constant 16 : i32
      %mul3A_603 = arith.muli %scan3A_8, %mul3A_602 : i32
      %get3A_604 = arith.constant 8 : i32
      %get3A_605 = arith.index_cast %get3A_604 : i32 to index
      %get3A_606 = arith.index_cast %mul3A_603 : i32 to index
      %get3A_607 = tpu.vector_load %arg10[%get3A_605, %get3A_606] {strides = array<i32>} : memref<16x320xi32, #tpu.memory_space<vmem>>, vector<16xi32>,
      %gather3A_608 = tpu.vector_load_idx %arg7[%get3A_607] : memref<10240xf32, #tpu.memory_space<vmem>>[vector<16xi32>], vector<16xf32>,
      %gather3A_609 = tpu.vector_load_idx %arg8[%get3A_607] : memref<10240xf32, #tpu.memory_space<vmem>>[vector<16xi32>], vector<16xf32>,
      %gather3A_610 = tpu.vector_load_idx %arg9[%get3A_607] : memref<10240xf32, #tpu.memory_space<vmem>>[vector<16xi32>], vector<16xf32>,
      %sub3A_611 = arith.subf %gather3A_608, %get3A_12 : vector<16xf32>
      %sub3A_612 = arith.subf %gather3A_609, %get3A_14 : vector<16xf32>
      %sub3A_613 = arith.subf %gather3A_610, %get3A_16 : vector<16xf32>
      %mul3A_614 = arith.mulf %sub3A_611, %sub3A_611 : vector<16xf32>
      %mul3A_615 = arith.mulf %sub3A_612, %sub3A_612 : vector<16xf32>
      %add3A_616 = arith.addf %mul3A_614, %mul3A_615 : vector<16xf32>
      %mul3A_617 = arith.mulf %sub3A_613, %sub3A_613 : vector<16xf32>
      %add3A_618 = arith.addf %add3A_616, %mul3A_617 : vector<16xf32>
      %add3A_619 = arith.constant 9.99999971E-10 : f32
      %add3A_620 = vector.broadcast %add3A_619 : f32 to vector<16xf32>
      %add3A_621 = arith.addf %add3A_618, %add3A_620 : vector<16xf32>
      %mul3A_622 = arith.constant 4.000000e-02 : f32
      %mul3A_623 = vector.broadcast %mul3A_622 : f32 to vector<16xf32>
      %mul3A_624 = arith.mulf %add3A_621, %mul3A_623 : vector<16xf32>
      %min3A_625 = arith.constant 1.000000e+00 : f32
      %min3A_626 = vector.broadcast %min3A_625 : f32 to vector<16xf32>
      %min3A_627 = arith.minimumf %mul3A_624, %min3A_626 : vector<16xf32>
      %broadcast_in_dim3A_628 = arith.constant 1.85971248E-6 : f32
      %broadcast_in_dim3A_629 = vector.broadcast %broadcast_in_dim3A_628 : f32 to vector<16xf32>
      %mul3A_630 = arith.mulf %broadcast_in_dim3A_629, %min3A_627 : vector<16xf32>
      %add3A_631 = arith.constant -5.17822955E-5 : f32
      %add3A_632 = vector.broadcast %add3A_631 : f32 to vector<16xf32>
      %add3A_633 = arith.addf %mul3A_630, %add3A_632 : vector<16xf32>
      %mul3A_634 = arith.mulf %add3A_633, %min3A_627 : vector<16xf32>
      %add3A_635 = arith.constant 9.64245526E-4 : f32
      %add3A_636 = vector.broadcast %add3A_635 : f32 to vector<16xf32>
      %add3A_637 = arith.addf %mul3A_634, %add3A_636 : vector<16xf32>
      %mul3A_638 = arith.mulf %add3A_637, %min3A_627 : vector<16xf32>
      %add3A_639 = arith.constant -0.0129031232 : f32
      %add3A_640 = vector.broadcast %add3A_639 : f32 to vector<16xf32>
      %add3A_641 = arith.addf %mul3A_638, %add3A_640 : vector<16xf32>
      %mul3A_642 = arith.mulf %add3A_641, %min3A_627 : vector<16xf32>
      %add3A_643 = arith.constant 0.117665201 : f32
      %add3A_644 = vector.broadcast %add3A_643 : f32 to vector<16xf32>
      %add3A_645 = arith.addf %mul3A_642, %add3A_644 : vector<16xf32>
      %mul3A_646 = arith.mulf %add3A_645, %min3A_627 : vector<16xf32>
      %add3A_647 = arith.constant -0.667631388 : f32
      %add3A_648 = vector.broadcast %add3A_647 : f32 to vector<16xf32>
      %add3A_649 = arith.addf %mul3A_646, %add3A_648 : vector<16xf32>
      %mul3A_650 = arith.mulf %add3A_649, %min3A_627 : vector<16xf32>
      %add3A_651 = arith.constant 2.029356 : f32
      %add3A_652 = vector.broadcast %add3A_651 : f32 to vector<16xf32>
      %add3A_653 = arith.addf %mul3A_650, %add3A_652 : vector<16xf32>
      %mul3A_654 = arith.mulf %add3A_653, %min3A_627 : vector<16xf32>
      %add3A_655 = arith.constant -2.46740103 : f32
      %add3A_656 = vector.broadcast %add3A_655 : f32 to vector<16xf32>
      %add3A_657 = arith.addf %mul3A_654, %add3A_656 : vector<16xf32>
      %mul3A_658 = arith.mulf %add3A_657, %min3A_627 : vector<16xf32>
      %add3A_659 = arith.constant 1.000000e+00 : f32
      %add3A_660 = vector.broadcast %add3A_659 : f32 to vector<16xf32>
      %add3A_661 = arith.addf %mul3A_658, %add3A_660 : vector<16xf32>
      %lt3A_662 = arith.constant 1.000000e+00 : f32
      %lt3A_663 = vector.broadcast %lt3A_662 : f32 to vector<16xf32>
      %lt3A_664 = arith.cmpf olt, %mul3A_624, %lt3A_663 : vector<16xf32>
      %jit3A_665 = arith.constant 0.000000e+00 : f32
      %broadcast_in_dim3A_666 = vector.broadcast %jit3A_665 : f32 to vector<16xf32>
      %select_n3A_667 = arith.select %lt3A_664, %add3A_661, %broadcast_in_dim3A_666 : vector<16xi1>, vector<16xf32>
      %add3A_668 = arith.addf %add3A_595, %select_n3A_667 : vector<16xf32>
      %mul3A_669 = arith.mulf %select_n3A_667, %sub3A_611 : vector<16xf32>
      %add3A_670 = arith.addf %add3A_597, %mul3A_669 : vector<16xf32>
      %mul3A_671 = arith.mulf %select_n3A_667, %sub3A_612 : vector<16xf32>
      %add3A_672 = arith.addf %add3A_599, %mul3A_671 : vector<16xf32>
      %mul3A_673 = arith.mulf %select_n3A_667, %sub3A_613 : vector<16xf32>
      %add3A_674 = arith.addf %add3A_601, %mul3A_673 : vector<16xf32>
      %mul3A_675 = arith.constant 16 : i32
      %mul3A_676 = arith.muli %scan3A_8, %mul3A_675 : i32
      %get3A_677 = arith.constant 9 : i32
      %get3A_678 = arith.index_cast %get3A_677 : i32 to index
      %get3A_679 = arith.index_cast %mul3A_676 : i32 to index
      %get3A_680 = tpu.vector_load %arg10[%get3A_678, %get3A_679] {strides = array<i32>} : memref<16x320xi32, #tpu.memory_space<vmem>>, vector<16xi32>,
      %gather3A_681 = tpu.vector_load_idx %arg7[%get3A_680] : memref<10240xf32, #tpu.memory_space<vmem>>[vector<16xi32>], vector<16xf32>,
      %gather3A_682 = tpu.vector_load_idx %arg8[%get3A_680] : memref<10240xf32, #tpu.memory_space<vmem>>[vector<16xi32>], vector<16xf32>,
      %gather3A_683 = tpu.vector_load_idx %arg9[%get3A_680] : memref<10240xf32, #tpu.memory_space<vmem>>[vector<16xi32>], vector<16xf32>,
      %sub3A_684 = arith.subf %gather3A_681, %get3A_12 : vector<16xf32>
      %sub3A_685 = arith.subf %gather3A_682, %get3A_14 : vector<16xf32>
      %sub3A_686 = arith.subf %gather3A_683, %get3A_16 : vector<16xf32>
      %mul3A_687 = arith.mulf %sub3A_684, %sub3A_684 : vector<16xf32>
      %mul3A_688 = arith.mulf %sub3A_685, %sub3A_685 : vector<16xf32>
      %add3A_689 = arith.addf %mul3A_687, %mul3A_688 : vector<16xf32>
      %mul3A_690 = arith.mulf %sub3A_686, %sub3A_686 : vector<16xf32>
      %add3A_691 = arith.addf %add3A_689, %mul3A_690 : vector<16xf32>
      %add3A_692 = arith.constant 9.99999971E-10 : f32
      %add3A_693 = vector.broadcast %add3A_692 : f32 to vector<16xf32>
      %add3A_694 = arith.addf %add3A_691, %add3A_693 : vector<16xf32>
      %mul3A_695 = arith.constant 4.000000e-02 : f32
      %mul3A_696 = vector.broadcast %mul3A_695 : f32 to vector<16xf32>
      %mul3A_697 = arith.mulf %add3A_694, %mul3A_696 : vector<16xf32>
      %min3A_698 = arith.constant 1.000000e+00 : f32
      %min3A_699 = vector.broadcast %min3A_698 : f32 to vector<16xf32>
      %min3A_700 = arith.minimumf %mul3A_697, %min3A_699 : vector<16xf32>
      %broadcast_in_dim3A_701 = arith.constant 1.85971248E-6 : f32
      %broadcast_in_dim3A_702 = vector.broadcast %broadcast_in_dim3A_701 : f32 to vector<16xf32>
      %mul3A_703 = arith.mulf %broadcast_in_dim3A_702, %min3A_700 : vector<16xf32>
      %add3A_704 = arith.constant -5.17822955E-5 : f32
      %add3A_705 = vector.broadcast %add3A_704 : f32 to vector<16xf32>
      %add3A_706 = arith.addf %mul3A_703, %add3A_705 : vector<16xf32>
      %mul3A_707 = arith.mulf %add3A_706, %min3A_700 : vector<16xf32>
      %add3A_708 = arith.constant 9.64245526E-4 : f32
      %add3A_709 = vector.broadcast %add3A_708 : f32 to vector<16xf32>
      %add3A_710 = arith.addf %mul3A_707, %add3A_709 : vector<16xf32>
      %mul3A_711 = arith.mulf %add3A_710, %min3A_700 : vector<16xf32>
      %add3A_712 = arith.constant -0.0129031232 : f32
      %add3A_713 = vector.broadcast %add3A_712 : f32 to vector<16xf32>
      %add3A_714 = arith.addf %mul3A_711, %add3A_713 : vector<16xf32>
      %mul3A_715 = arith.mulf %add3A_714, %min3A_700 : vector<16xf32>
      %add3A_716 = arith.constant 0.117665201 : f32
      %add3A_717 = vector.broadcast %add3A_716 : f32 to vector<16xf32>
      %add3A_718 = arith.addf %mul3A_715, %add3A_717 : vector<16xf32>
      %mul3A_719 = arith.mulf %add3A_718, %min3A_700 : vector<16xf32>
      %add3A_720 = arith.constant -0.667631388 : f32
      %add3A_721 = vector.broadcast %add3A_720 : f32 to vector<16xf32>
      %add3A_722 = arith.addf %mul3A_719, %add3A_721 : vector<16xf32>
      %mul3A_723 = arith.mulf %add3A_722, %min3A_700 : vector<16xf32>
      %add3A_724 = arith.constant 2.029356 : f32
      %add3A_725 = vector.broadcast %add3A_724 : f32 to vector<16xf32>
      %add3A_726 = arith.addf %mul3A_723, %add3A_725 : vector<16xf32>
      %mul3A_727 = arith.mulf %add3A_726, %min3A_700 : vector<16xf32>
      %add3A_728 = arith.constant -2.46740103 : f32
      %add3A_729 = vector.broadcast %add3A_728 : f32 to vector<16xf32>
      %add3A_730 = arith.addf %mul3A_727, %add3A_729 : vector<16xf32>
      %mul3A_731 = arith.mulf %add3A_730, %min3A_700 : vector<16xf32>
      %add3A_732 = arith.constant 1.000000e+00 : f32
      %add3A_733 = vector.broadcast %add3A_732 : f32 to vector<16xf32>
      %add3A_734 = arith.addf %mul3A_731, %add3A_733 : vector<16xf32>
      %lt3A_735 = arith.constant 1.000000e+00 : f32
      %lt3A_736 = vector.broadcast %lt3A_735 : f32 to vector<16xf32>
      %lt3A_737 = arith.cmpf olt, %mul3A_697, %lt3A_736 : vector<16xf32>
      %jit3A_738 = arith.constant 0.000000e+00 : f32
      %broadcast_in_dim3A_739 = vector.broadcast %jit3A_738 : f32 to vector<16xf32>
      %select_n3A_740 = arith.select %lt3A_737, %add3A_734, %broadcast_in_dim3A_739 : vector<16xi1>, vector<16xf32>
      %add3A_741 = arith.addf %add3A_668, %select_n3A_740 : vector<16xf32>
      %mul3A_742 = arith.mulf %select_n3A_740, %sub3A_684 : vector<16xf32>
      %add3A_743 = arith.addf %add3A_670, %mul3A_742 : vector<16xf32>
      %mul3A_744 = arith.mulf %select_n3A_740, %sub3A_685 : vector<16xf32>
      %add3A_745 = arith.addf %add3A_672, %mul3A_744 : vector<16xf32>
      %mul3A_746 = arith.mulf %select_n3A_740, %sub3A_686 : vector<16xf32>
      %add3A_747 = arith.addf %add3A_674, %mul3A_746 : vector<16xf32>
      %mul3A_748 = arith.constant 16 : i32
      %mul3A_749 = arith.muli %scan3A_8, %mul3A_748 : i32
      %get3A_750 = arith.constant 10 : i32
      %get3A_751 = arith.index_cast %get3A_750 : i32 to index
      %get3A_752 = arith.index_cast %mul3A_749 : i32 to index
      %get3A_753 = tpu.vector_load %arg10[%get3A_751, %get3A_752] {strides = array<i32>} : memref<16x320xi32, #tpu.memory_space<vmem>>, vector<16xi32>,
      %gather3A_754 = tpu.vector_load_idx %arg7[%get3A_753] : memref<10240xf32, #tpu.memory_space<vmem>>[vector<16xi32>], vector<16xf32>,
      %gather3A_755 = tpu.vector_load_idx %arg8[%get3A_753] : memref<10240xf32, #tpu.memory_space<vmem>>[vector<16xi32>], vector<16xf32>,
      %gather3A_756 = tpu.vector_load_idx %arg9[%get3A_753] : memref<10240xf32, #tpu.memory_space<vmem>>[vector<16xi32>], vector<16xf32>,
      %sub3A_757 = arith.subf %gather3A_754, %get3A_12 : vector<16xf32>
      %sub3A_758 = arith.subf %gather3A_755, %get3A_14 : vector<16xf32>
      %sub3A_759 = arith.subf %gather3A_756, %get3A_16 : vector<16xf32>
      %mul3A_760 = arith.mulf %sub3A_757, %sub3A_757 : vector<16xf32>
      %mul3A_761 = arith.mulf %sub3A_758, %sub3A_758 : vector<16xf32>
      %add3A_762 = arith.addf %mul3A_760, %mul3A_761 : vector<16xf32>
      %mul3A_763 = arith.mulf %sub3A_759, %sub3A_759 : vector<16xf32>
      %add3A_764 = arith.addf %add3A_762, %mul3A_763 : vector<16xf32>
      %add3A_765 = arith.constant 9.99999971E-10 : f32
      %add3A_766 = vector.broadcast %add3A_765 : f32 to vector<16xf32>
      %add3A_767 = arith.addf %add3A_764, %add3A_766 : vector<16xf32>
      %mul3A_768 = arith.constant 4.000000e-02 : f32
      %mul3A_769 = vector.broadcast %mul3A_768 : f32 to vector<16xf32>
      %mul3A_770 = arith.mulf %add3A_767, %mul3A_769 : vector<16xf32>
      %min3A_771 = arith.constant 1.000000e+00 : f32
      %min3A_772 = vector.broadcast %min3A_771 : f32 to vector<16xf32>
      %min3A_773 = arith.minimumf %mul3A_770, %min3A_772 : vector<16xf32>
      %broadcast_in_dim3A_774 = arith.constant 1.85971248E-6 : f32
      %broadcast_in_dim3A_775 = vector.broadcast %broadcast_in_dim3A_774 : f32 to vector<16xf32>
      %mul3A_776 = arith.mulf %broadcast_in_dim3A_775, %min3A_773 : vector<16xf32>
      %add3A_777 = arith.constant -5.17822955E-5 : f32
      %add3A_778 = vector.broadcast %add3A_777 : f32 to vector<16xf32>
      %add3A_779 = arith.addf %mul3A_776, %add3A_778 : vector<16xf32>
      %mul3A_780 = arith.mulf %add3A_779, %min3A_773 : vector<16xf32>
      %add3A_781 = arith.constant 9.64245526E-4 : f32
      %add3A_782 = vector.broadcast %add3A_781 : f32 to vector<16xf32>
      %add3A_783 = arith.addf %mul3A_780, %add3A_782 : vector<16xf32>
      %mul3A_784 = arith.mulf %add3A_783, %min3A_773 : vector<16xf32>
      %add3A_785 = arith.constant -0.0129031232 : f32
      %add3A_786 = vector.broadcast %add3A_785 : f32 to vector<16xf32>
      %add3A_787 = arith.addf %mul3A_784, %add3A_786 : vector<16xf32>
      %mul3A_788 = arith.mulf %add3A_787, %min3A_773 : vector<16xf32>
      %add3A_789 = arith.constant 0.117665201 : f32
      %add3A_790 = vector.broadcast %add3A_789 : f32 to vector<16xf32>
      %add3A_791 = arith.addf %mul3A_788, %add3A_790 : vector<16xf32>
      %mul3A_792 = arith.mulf %add3A_791, %min3A_773 : vector<16xf32>
      %add3A_793 = arith.constant -0.667631388 : f32
      %add3A_794 = vector.broadcast %add3A_793 : f32 to vector<16xf32>
      %add3A_795 = arith.addf %mul3A_792, %add3A_794 : vector<16xf32>
      %mul3A_796 = arith.mulf %add3A_795, %min3A_773 : vector<16xf32>
      %add3A_797 = arith.constant 2.029356 : f32
      %add3A_798 = vector.broadcast %add3A_797 : f32 to vector<16xf32>
      %add3A_799 = arith.addf %mul3A_796, %add3A_798 : vector<16xf32>
      %mul3A_800 = arith.mulf %add3A_799, %min3A_773 : vector<16xf32>
      %add3A_801 = arith.constant -2.46740103 : f32
      %add3A_802 = vector.broadcast %add3A_801 : f32 to vector<16xf32>
      %add3A_803 = arith.addf %mul3A_800, %add3A_802 : vector<16xf32>
      %mul3A_804 = arith.mulf %add3A_803, %min3A_773 : vector<16xf32>
      %add3A_805 = arith.constant 1.000000e+00 : f32
      %add3A_806 = vector.broadcast %add3A_805 : f32 to vector<16xf32>
      %add3A_807 = arith.addf %mul3A_804, %add3A_806 : vector<16xf32>
      %lt3A_808 = arith.constant 1.000000e+00 : f32
      %lt3A_809 = vector.broadcast %lt3A_808 : f32 to vector<16xf32>
      %lt3A_810 = arith.cmpf olt, %mul3A_770, %lt3A_809 : vector<16xf32>
      %jit3A_811 = arith.constant 0.000000e+00 : f32
      %broadcast_in_dim3A_812 = vector.broadcast %jit3A_811 : f32 to vector<16xf32>
      %select_n3A_813 = arith.select %lt3A_810, %add3A_807, %broadcast_in_dim3A_812 : vector<16xi1>, vector<16xf32>
      %add3A_814 = arith.addf %add3A_741, %select_n3A_813 : vector<16xf32>
      %mul3A_815 = arith.mulf %select_n3A_813, %sub3A_757 : vector<16xf32>
      %add3A_816 = arith.addf %add3A_743, %mul3A_815 : vector<16xf32>
      %mul3A_817 = arith.mulf %select_n3A_813, %sub3A_758 : vector<16xf32>
      %add3A_818 = arith.addf %add3A_745, %mul3A_817 : vector<16xf32>
      %mul3A_819 = arith.mulf %select_n3A_813, %sub3A_759 : vector<16xf32>
      %add3A_820 = arith.addf %add3A_747, %mul3A_819 : vector<16xf32>
      %mul3A_821 = arith.constant 16 : i32
      %mul3A_822 = arith.muli %scan3A_8, %mul3A_821 : i32
      %get3A_823 = arith.constant 11 : i32
      %get3A_824 = arith.index_cast %get3A_823 : i32 to index
      %get3A_825 = arith.index_cast %mul3A_822 : i32 to index
      %get3A_826 = tpu.vector_load %arg10[%get3A_824, %get3A_825] {strides = array<i32>} : memref<16x320xi32, #tpu.memory_space<vmem>>, vector<16xi32>,
      %gather3A_827 = tpu.vector_load_idx %arg7[%get3A_826] : memref<10240xf32, #tpu.memory_space<vmem>>[vector<16xi32>], vector<16xf32>,
      %gather3A_828 = tpu.vector_load_idx %arg8[%get3A_826] : memref<10240xf32, #tpu.memory_space<vmem>>[vector<16xi32>], vector<16xf32>,
      %gather3A_829 = tpu.vector_load_idx %arg9[%get3A_826] : memref<10240xf32, #tpu.memory_space<vmem>>[vector<16xi32>], vector<16xf32>,
      %sub3A_830 = arith.subf %gather3A_827, %get3A_12 : vector<16xf32>
      %sub3A_831 = arith.subf %gather3A_828, %get3A_14 : vector<16xf32>
      %sub3A_832 = arith.subf %gather3A_829, %get3A_16 : vector<16xf32>
      %mul3A_833 = arith.mulf %sub3A_830, %sub3A_830 : vector<16xf32>
      %mul3A_834 = arith.mulf %sub3A_831, %sub3A_831 : vector<16xf32>
      %add3A_835 = arith.addf %mul3A_833, %mul3A_834 : vector<16xf32>
      %mul3A_836 = arith.mulf %sub3A_832, %sub3A_832 : vector<16xf32>
      %add3A_837 = arith.addf %add3A_835, %mul3A_836 : vector<16xf32>
      %add3A_838 = arith.constant 9.99999971E-10 : f32
      %add3A_839 = vector.broadcast %add3A_838 : f32 to vector<16xf32>
      %add3A_840 = arith.addf %add3A_837, %add3A_839 : vector<16xf32>
      %mul3A_841 = arith.constant 4.000000e-02 : f32
      %mul3A_842 = vector.broadcast %mul3A_841 : f32 to vector<16xf32>
      %mul3A_843 = arith.mulf %add3A_840, %mul3A_842 : vector<16xf32>
      %min3A_844 = arith.constant 1.000000e+00 : f32
      %min3A_845 = vector.broadcast %min3A_844 : f32 to vector<16xf32>
      %min3A_846 = arith.minimumf %mul3A_843, %min3A_845 : vector<16xf32>
      %broadcast_in_dim3A_847 = arith.constant 1.85971248E-6 : f32
      %broadcast_in_dim3A_848 = vector.broadcast %broadcast_in_dim3A_847 : f32 to vector<16xf32>
      %mul3A_849 = arith.mulf %broadcast_in_dim3A_848, %min3A_846 : vector<16xf32>
      %add3A_850 = arith.constant -5.17822955E-5 : f32
      %add3A_851 = vector.broadcast %add3A_850 : f32 to vector<16xf32>
      %add3A_852 = arith.addf %mul3A_849, %add3A_851 : vector<16xf32>
      %mul3A_853 = arith.mulf %add3A_852, %min3A_846 : vector<16xf32>
      %add3A_854 = arith.constant 9.64245526E-4 : f32
      %add3A_855 = vector.broadcast %add3A_854 : f32 to vector<16xf32>
      %add3A_856 = arith.addf %mul3A_853, %add3A_855 : vector<16xf32>
      %mul3A_857 = arith.mulf %add3A_856, %min3A_846 : vector<16xf32>
      %add3A_858 = arith.constant -0.0129031232 : f32
      %add3A_859 = vector.broadcast %add3A_858 : f32 to vector<16xf32>
      %add3A_860 = arith.addf %mul3A_857, %add3A_859 : vector<16xf32>
      %mul3A_861 = arith.mulf %add3A_860, %min3A_846 : vector<16xf32>
      %add3A_862 = arith.constant 0.117665201 : f32
      %add3A_863 = vector.broadcast %add3A_862 : f32 to vector<16xf32>
      %add3A_864 = arith.addf %mul3A_861, %add3A_863 : vector<16xf32>
      %mul3A_865 = arith.mulf %add3A_864, %min3A_846 : vector<16xf32>
      %add3A_866 = arith.constant -0.667631388 : f32
      %add3A_867 = vector.broadcast %add3A_866 : f32 to vector<16xf32>
      %add3A_868 = arith.addf %mul3A_865, %add3A_867 : vector<16xf32>
      %mul3A_869 = arith.mulf %add3A_868, %min3A_846 : vector<16xf32>
      %add3A_870 = arith.constant 2.029356 : f32
      %add3A_871 = vector.broadcast %add3A_870 : f32 to vector<16xf32>
      %add3A_872 = arith.addf %mul3A_869, %add3A_871 : vector<16xf32>
      %mul3A_873 = arith.mulf %add3A_872, %min3A_846 : vector<16xf32>
      %add3A_874 = arith.constant -2.46740103 : f32
      %add3A_875 = vector.broadcast %add3A_874 : f32 to vector<16xf32>
      %add3A_876 = arith.addf %mul3A_873, %add3A_875 : vector<16xf32>
      %mul3A_877 = arith.mulf %add3A_876, %min3A_846 : vector<16xf32>
      %add3A_878 = arith.constant 1.000000e+00 : f32
      %add3A_879 = vector.broadcast %add3A_878 : f32 to vector<16xf32>
      %add3A_880 = arith.addf %mul3A_877, %add3A_879 : vector<16xf32>
      %lt3A_881 = arith.constant 1.000000e+00 : f32
      %lt3A_882 = vector.broadcast %lt3A_881 : f32 to vector<16xf32>
      %lt3A_883 = arith.cmpf olt, %mul3A_843, %lt3A_882 : vector<16xf32>
      %jit3A_884 = arith.constant 0.000000e+00 : f32
      %broadcast_in_dim3A_885 = vector.broadcast %jit3A_884 : f32 to vector<16xf32>
      %select_n3A_886 = arith.select %lt3A_883, %add3A_880, %broadcast_in_dim3A_885 : vector<16xi1>, vector<16xf32>
      %add3A_887 = arith.addf %add3A_814, %select_n3A_886 : vector<16xf32>
      %mul3A_888 = arith.mulf %select_n3A_886, %sub3A_830 : vector<16xf32>
      %add3A_889 = arith.addf %add3A_816, %mul3A_888 : vector<16xf32>
      %mul3A_890 = arith.mulf %select_n3A_886, %sub3A_831 : vector<16xf32>
      %add3A_891 = arith.addf %add3A_818, %mul3A_890 : vector<16xf32>
      %mul3A_892 = arith.mulf %select_n3A_886, %sub3A_832 : vector<16xf32>
      %add3A_893 = arith.addf %add3A_820, %mul3A_892 : vector<16xf32>
      %mul3A_894 = arith.constant 16 : i32
      %mul3A_895 = arith.muli %scan3A_8, %mul3A_894 : i32
      %get3A_896 = arith.constant 12 : i32
      %get3A_897 = arith.index_cast %get3A_896 : i32 to index
      %get3A_898 = arith.index_cast %mul3A_895 : i32 to index
      %get3A_899 = tpu.vector_load %arg10[%get3A_897, %get3A_898] {strides = array<i32>} : memref<16x320xi32, #tpu.memory_space<vmem>>, vector<16xi32>,
      %gather3A_900 = tpu.vector_load_idx %arg7[%get3A_899] : memref<10240xf32, #tpu.memory_space<vmem>>[vector<16xi32>], vector<16xf32>,
      %gather3A_901 = tpu.vector_load_idx %arg8[%get3A_899] : memref<10240xf32, #tpu.memory_space<vmem>>[vector<16xi32>], vector<16xf32>,
      %gather3A_902 = tpu.vector_load_idx %arg9[%get3A_899] : memref<10240xf32, #tpu.memory_space<vmem>>[vector<16xi32>], vector<16xf32>,
      %sub3A_903 = arith.subf %gather3A_900, %get3A_12 : vector<16xf32>
      %sub3A_904 = arith.subf %gather3A_901, %get3A_14 : vector<16xf32>
      %sub3A_905 = arith.subf %gather3A_902, %get3A_16 : vector<16xf32>
      %mul3A_906 = arith.mulf %sub3A_903, %sub3A_903 : vector<16xf32>
      %mul3A_907 = arith.mulf %sub3A_904, %sub3A_904 : vector<16xf32>
      %add3A_908 = arith.addf %mul3A_906, %mul3A_907 : vector<16xf32>
      %mul3A_909 = arith.mulf %sub3A_905, %sub3A_905 : vector<16xf32>
      %add3A_910 = arith.addf %add3A_908, %mul3A_909 : vector<16xf32>
      %add3A_911 = arith.constant 9.99999971E-10 : f32
      %add3A_912 = vector.broadcast %add3A_911 : f32 to vector<16xf32>
      %add3A_913 = arith.addf %add3A_910, %add3A_912 : vector<16xf32>
      %mul3A_914 = arith.constant 4.000000e-02 : f32
      %mul3A_915 = vector.broadcast %mul3A_914 : f32 to vector<16xf32>
      %mul3A_916 = arith.mulf %add3A_913, %mul3A_915 : vector<16xf32>
      %min3A_917 = arith.constant 1.000000e+00 : f32
      %min3A_918 = vector.broadcast %min3A_917 : f32 to vector<16xf32>
      %min3A_919 = arith.minimumf %mul3A_916, %min3A_918 : vector<16xf32>
      %broadcast_in_dim3A_920 = arith.constant 1.85971248E-6 : f32
      %broadcast_in_dim3A_921 = vector.broadcast %broadcast_in_dim3A_920 : f32 to vector<16xf32>
      %mul3A_922 = arith.mulf %broadcast_in_dim3A_921, %min3A_919 : vector<16xf32>
      %add3A_923 = arith.constant -5.17822955E-5 : f32
      %add3A_924 = vector.broadcast %add3A_923 : f32 to vector<16xf32>
      %add3A_925 = arith.addf %mul3A_922, %add3A_924 : vector<16xf32>
      %mul3A_926 = arith.mulf %add3A_925, %min3A_919 : vector<16xf32>
      %add3A_927 = arith.constant 9.64245526E-4 : f32
      %add3A_928 = vector.broadcast %add3A_927 : f32 to vector<16xf32>
      %add3A_929 = arith.addf %mul3A_926, %add3A_928 : vector<16xf32>
      %mul3A_930 = arith.mulf %add3A_929, %min3A_919 : vector<16xf32>
      %add3A_931 = arith.constant -0.0129031232 : f32
      %add3A_932 = vector.broadcast %add3A_931 : f32 to vector<16xf32>
      %add3A_933 = arith.addf %mul3A_930, %add3A_932 : vector<16xf32>
      %mul3A_934 = arith.mulf %add3A_933, %min3A_919 : vector<16xf32>
      %add3A_935 = arith.constant 0.117665201 : f32
      %add3A_936 = vector.broadcast %add3A_935 : f32 to vector<16xf32>
      %add3A_937 = arith.addf %mul3A_934, %add3A_936 : vector<16xf32>
      %mul3A_938 = arith.mulf %add3A_937, %min3A_919 : vector<16xf32>
      %add3A_939 = arith.constant -0.667631388 : f32
      %add3A_940 = vector.broadcast %add3A_939 : f32 to vector<16xf32>
      %add3A_941 = arith.addf %mul3A_938, %add3A_940 : vector<16xf32>
      %mul3A_942 = arith.mulf %add3A_941, %min3A_919 : vector<16xf32>
      %add3A_943 = arith.constant 2.029356 : f32
      %add3A_944 = vector.broadcast %add3A_943 : f32 to vector<16xf32>
      %add3A_945 = arith.addf %mul3A_942, %add3A_944 : vector<16xf32>
      %mul3A_946 = arith.mulf %add3A_945, %min3A_919 : vector<16xf32>
      %add3A_947 = arith.constant -2.46740103 : f32
      %add3A_948 = vector.broadcast %add3A_947 : f32 to vector<16xf32>
      %add3A_949 = arith.addf %mul3A_946, %add3A_948 : vector<16xf32>
      %mul3A_950 = arith.mulf %add3A_949, %min3A_919 : vector<16xf32>
      %add3A_951 = arith.constant 1.000000e+00 : f32
      %add3A_952 = vector.broadcast %add3A_951 : f32 to vector<16xf32>
      %add3A_953 = arith.addf %mul3A_950, %add3A_952 : vector<16xf32>
      %lt3A_954 = arith.constant 1.000000e+00 : f32
      %lt3A_955 = vector.broadcast %lt3A_954 : f32 to vector<16xf32>
      %lt3A_956 = arith.cmpf olt, %mul3A_916, %lt3A_955 : vector<16xf32>
      %jit3A_957 = arith.constant 0.000000e+00 : f32
      %broadcast_in_dim3A_958 = vector.broadcast %jit3A_957 : f32 to vector<16xf32>
      %select_n3A_959 = arith.select %lt3A_956, %add3A_953, %broadcast_in_dim3A_958 : vector<16xi1>, vector<16xf32>
      %add3A_960 = arith.addf %add3A_887, %select_n3A_959 : vector<16xf32>
      %mul3A_961 = arith.mulf %select_n3A_959, %sub3A_903 : vector<16xf32>
      %add3A_962 = arith.addf %add3A_889, %mul3A_961 : vector<16xf32>
      %mul3A_963 = arith.mulf %select_n3A_959, %sub3A_904 : vector<16xf32>
      %add3A_964 = arith.addf %add3A_891, %mul3A_963 : vector<16xf32>
      %mul3A_965 = arith.mulf %select_n3A_959, %sub3A_905 : vector<16xf32>
      %add3A_966 = arith.addf %add3A_893, %mul3A_965 : vector<16xf32>
      %mul3A_967 = arith.constant 16 : i32
      %mul3A_968 = arith.muli %scan3A_8, %mul3A_967 : i32
      %get3A_969 = arith.constant 13 : i32
      %get3A_970 = arith.index_cast %get3A_969 : i32 to index
      %get3A_971 = arith.index_cast %mul3A_968 : i32 to index
      %get3A_972 = tpu.vector_load %arg10[%get3A_970, %get3A_971] {strides = array<i32>} : memref<16x320xi32, #tpu.memory_space<vmem>>, vector<16xi32>,
      %gather3A_973 = tpu.vector_load_idx %arg7[%get3A_972] : memref<10240xf32, #tpu.memory_space<vmem>>[vector<16xi32>], vector<16xf32>,
      %gather3A_974 = tpu.vector_load_idx %arg8[%get3A_972] : memref<10240xf32, #tpu.memory_space<vmem>>[vector<16xi32>], vector<16xf32>,
      %gather3A_975 = tpu.vector_load_idx %arg9[%get3A_972] : memref<10240xf32, #tpu.memory_space<vmem>>[vector<16xi32>], vector<16xf32>,
      %sub3A_976 = arith.subf %gather3A_973, %get3A_12 : vector<16xf32>
      %sub3A_977 = arith.subf %gather3A_974, %get3A_14 : vector<16xf32>
      %sub3A_978 = arith.subf %gather3A_975, %get3A_16 : vector<16xf32>
      %mul3A_979 = arith.mulf %sub3A_976, %sub3A_976 : vector<16xf32>
      %mul3A_980 = arith.mulf %sub3A_977, %sub3A_977 : vector<16xf32>
      %add3A_981 = arith.addf %mul3A_979, %mul3A_980 : vector<16xf32>
      %mul3A_982 = arith.mulf %sub3A_978, %sub3A_978 : vector<16xf32>
      %add3A_983 = arith.addf %add3A_981, %mul3A_982 : vector<16xf32>
      %add3A_984 = arith.constant 9.99999971E-10 : f32
      %add3A_985 = vector.broadcast %add3A_984 : f32 to vector<16xf32>
      %add3A_986 = arith.addf %add3A_983, %add3A_985 : vector<16xf32>
      %mul3A_987 = arith.constant 4.000000e-02 : f32
      %mul3A_988 = vector.broadcast %mul3A_987 : f32 to vector<16xf32>
      %mul3A_989 = arith.mulf %add3A_986, %mul3A_988 : vector<16xf32>
      %min3A_990 = arith.constant 1.000000e+00 : f32
      %min3A_991 = vector.broadcast %min3A_990 : f32 to vector<16xf32>
      %min3A_992 = arith.minimumf %mul3A_989, %min3A_991 : vector<16xf32>
      %broadcast_in_dim3A_993 = arith.constant 1.85971248E-6 : f32
      %broadcast_in_dim3A_994 = vector.broadcast %broadcast_in_dim3A_993 : f32 to vector<16xf32>
      %mul3A_995 = arith.mulf %broadcast_in_dim3A_994, %min3A_992 : vector<16xf32>
      %add3A_996 = arith.constant -5.17822955E-5 : f32
      %add3A_997 = vector.broadcast %add3A_996 : f32 to vector<16xf32>
      %add3A_998 = arith.addf %mul3A_995, %add3A_997 : vector<16xf32>
      %mul3A_999 = arith.mulf %add3A_998, %min3A_992 : vector<16xf32>
      %add3A_1000 = arith.constant 9.64245526E-4 : f32
      %add3A_1001 = vector.broadcast %add3A_1000 : f32 to vector<16xf32>
      %add3A_1002 = arith.addf %mul3A_999, %add3A_1001 : vector<16xf32>
      %mul3A_1003 = arith.mulf %add3A_1002, %min3A_992 : vector<16xf32>
      %add3A_1004 = arith.constant -0.0129031232 : f32
      %add3A_1005 = vector.broadcast %add3A_1004 : f32 to vector<16xf32>
      %add3A_1006 = arith.addf %mul3A_1003, %add3A_1005 : vector<16xf32>
      %mul3A_1007 = arith.mulf %add3A_1006, %min3A_992 : vector<16xf32>
      %add3A_1008 = arith.constant 0.117665201 : f32
      %add3A_1009 = vector.broadcast %add3A_1008 : f32 to vector<16xf32>
      %add3A_1010 = arith.addf %mul3A_1007, %add3A_1009 : vector<16xf32>
      %mul3A_1011 = arith.mulf %add3A_1010, %min3A_992 : vector<16xf32>
      %add3A_1012 = arith.constant -0.667631388 : f32
      %add3A_1013 = vector.broadcast %add3A_1012 : f32 to vector<16xf32>
      %add3A_1014 = arith.addf %mul3A_1011, %add3A_1013 : vector<16xf32>
      %mul3A_1015 = arith.mulf %add3A_1014, %min3A_992 : vector<16xf32>
      %add3A_1016 = arith.constant 2.029356 : f32
      %add3A_1017 = vector.broadcast %add3A_1016 : f32 to vector<16xf32>
      %add3A_1018 = arith.addf %mul3A_1015, %add3A_1017 : vector<16xf32>
      %mul3A_1019 = arith.mulf %add3A_1018, %min3A_992 : vector<16xf32>
      %add3A_1020 = arith.constant -2.46740103 : f32
      %add3A_1021 = vector.broadcast %add3A_1020 : f32 to vector<16xf32>
      %add3A_1022 = arith.addf %mul3A_1019, %add3A_1021 : vector<16xf32>
      %mul3A_1023 = arith.mulf %add3A_1022, %min3A_992 : vector<16xf32>
      %add3A_1024 = arith.constant 1.000000e+00 : f32
      %add3A_1025 = vector.broadcast %add3A_1024 : f32 to vector<16xf32>
      %add3A_1026 = arith.addf %mul3A_1023, %add3A_1025 : vector<16xf32>
      %lt3A_1027 = arith.constant 1.000000e+00 : f32
      %lt3A_1028 = vector.broadcast %lt3A_1027 : f32 to vector<16xf32>
      %lt3A_1029 = arith.cmpf olt, %mul3A_989, %lt3A_1028 : vector<16xf32>
      %jit3A_1030 = arith.constant 0.000000e+00 : f32
      %broadcast_in_dim3A_1031 = vector.broadcast %jit3A_1030 : f32 to vector<16xf32>
      %select_n3A_1032 = arith.select %lt3A_1029, %add3A_1026, %broadcast_in_dim3A_1031 : vector<16xi1>, vector<16xf32>
      %add3A_1033 = arith.addf %add3A_960, %select_n3A_1032 : vector<16xf32>
      %mul3A_1034 = arith.mulf %select_n3A_1032, %sub3A_976 : vector<16xf32>
      %add3A_1035 = arith.addf %add3A_962, %mul3A_1034 : vector<16xf32>
      %mul3A_1036 = arith.mulf %select_n3A_1032, %sub3A_977 : vector<16xf32>
      %add3A_1037 = arith.addf %add3A_964, %mul3A_1036 : vector<16xf32>
      %mul3A_1038 = arith.mulf %select_n3A_1032, %sub3A_978 : vector<16xf32>
      %add3A_1039 = arith.addf %add3A_966, %mul3A_1038 : vector<16xf32>
      %mul3A_1040 = arith.constant 16 : i32
      %mul3A_1041 = arith.muli %scan3A_8, %mul3A_1040 : i32
      %get3A_1042 = arith.constant 14 : i32
      %get3A_1043 = arith.index_cast %get3A_1042 : i32 to index
      %get3A_1044 = arith.index_cast %mul3A_1041 : i32 to index
      %get3A_1045 = tpu.vector_load %arg10[%get3A_1043, %get3A_1044] {strides = array<i32>} : memref<16x320xi32, #tpu.memory_space<vmem>>, vector<16xi32>,
      %gather3A_1046 = tpu.vector_load_idx %arg7[%get3A_1045] : memref<10240xf32, #tpu.memory_space<vmem>>[vector<16xi32>], vector<16xf32>,
      %gather3A_1047 = tpu.vector_load_idx %arg8[%get3A_1045] : memref<10240xf32, #tpu.memory_space<vmem>>[vector<16xi32>], vector<16xf32>,
      %gather3A_1048 = tpu.vector_load_idx %arg9[%get3A_1045] : memref<10240xf32, #tpu.memory_space<vmem>>[vector<16xi32>], vector<16xf32>,
      %sub3A_1049 = arith.subf %gather3A_1046, %get3A_12 : vector<16xf32>
      %sub3A_1050 = arith.subf %gather3A_1047, %get3A_14 : vector<16xf32>
      %sub3A_1051 = arith.subf %gather3A_1048, %get3A_16 : vector<16xf32>
      %mul3A_1052 = arith.mulf %sub3A_1049, %sub3A_1049 : vector<16xf32>
      %mul3A_1053 = arith.mulf %sub3A_1050, %sub3A_1050 : vector<16xf32>
      %add3A_1054 = arith.addf %mul3A_1052, %mul3A_1053 : vector<16xf32>
      %mul3A_1055 = arith.mulf %sub3A_1051, %sub3A_1051 : vector<16xf32>
      %add3A_1056 = arith.addf %add3A_1054, %mul3A_1055 : vector<16xf32>
      %add3A_1057 = arith.constant 9.99999971E-10 : f32
      %add3A_1058 = vector.broadcast %add3A_1057 : f32 to vector<16xf32>
      %add3A_1059 = arith.addf %add3A_1056, %add3A_1058 : vector<16xf32>
      %mul3A_1060 = arith.constant 4.000000e-02 : f32
      %mul3A_1061 = vector.broadcast %mul3A_1060 : f32 to vector<16xf32>
      %mul3A_1062 = arith.mulf %add3A_1059, %mul3A_1061 : vector<16xf32>
      %min3A_1063 = arith.constant 1.000000e+00 : f32
      %min3A_1064 = vector.broadcast %min3A_1063 : f32 to vector<16xf32>
      %min3A_1065 = arith.minimumf %mul3A_1062, %min3A_1064 : vector<16xf32>
      %broadcast_in_dim3A_1066 = arith.constant 1.85971248E-6 : f32
      %broadcast_in_dim3A_1067 = vector.broadcast %broadcast_in_dim3A_1066 : f32 to vector<16xf32>
      %mul3A_1068 = arith.mulf %broadcast_in_dim3A_1067, %min3A_1065 : vector<16xf32>
      %add3A_1069 = arith.constant -5.17822955E-5 : f32
      %add3A_1070 = vector.broadcast %add3A_1069 : f32 to vector<16xf32>
      %add3A_1071 = arith.addf %mul3A_1068, %add3A_1070 : vector<16xf32>
      %mul3A_1072 = arith.mulf %add3A_1071, %min3A_1065 : vector<16xf32>
      %add3A_1073 = arith.constant 9.64245526E-4 : f32
      %add3A_1074 = vector.broadcast %add3A_1073 : f32 to vector<16xf32>
      %add3A_1075 = arith.addf %mul3A_1072, %add3A_1074 : vector<16xf32>
      %mul3A_1076 = arith.mulf %add3A_1075, %min3A_1065 : vector<16xf32>
      %add3A_1077 = arith.constant -0.0129031232 : f32
      %add3A_1078 = vector.broadcast %add3A_1077 : f32 to vector<16xf32>
      %add3A_1079 = arith.addf %mul3A_1076, %add3A_1078 : vector<16xf32>
      %mul3A_1080 = arith.mulf %add3A_1079, %min3A_1065 : vector<16xf32>
      %add3A_1081 = arith.constant 0.117665201 : f32
      %add3A_1082 = vector.broadcast %add3A_1081 : f32 to vector<16xf32>
      %add3A_1083 = arith.addf %mul3A_1080, %add3A_1082 : vector<16xf32>
      %mul3A_1084 = arith.mulf %add3A_1083, %min3A_1065 : vector<16xf32>
      %add3A_1085 = arith.constant -0.667631388 : f32
      %add3A_1086 = vector.broadcast %add3A_1085 : f32 to vector<16xf32>
      %add3A_1087 = arith.addf %mul3A_1084, %add3A_1086 : vector<16xf32>
      %mul3A_1088 = arith.mulf %add3A_1087, %min3A_1065 : vector<16xf32>
      %add3A_1089 = arith.constant 2.029356 : f32
      %add3A_1090 = vector.broadcast %add3A_1089 : f32 to vector<16xf32>
      %add3A_1091 = arith.addf %mul3A_1088, %add3A_1090 : vector<16xf32>
      %mul3A_1092 = arith.mulf %add3A_1091, %min3A_1065 : vector<16xf32>
      %add3A_1093 = arith.constant -2.46740103 : f32
      %add3A_1094 = vector.broadcast %add3A_1093 : f32 to vector<16xf32>
      %add3A_1095 = arith.addf %mul3A_1092, %add3A_1094 : vector<16xf32>
      %mul3A_1096 = arith.mulf %add3A_1095, %min3A_1065 : vector<16xf32>
      %add3A_1097 = arith.constant 1.000000e+00 : f32
      %add3A_1098 = vector.broadcast %add3A_1097 : f32 to vector<16xf32>
      %add3A_1099 = arith.addf %mul3A_1096, %add3A_1098 : vector<16xf32>
      %lt3A_1100 = arith.constant 1.000000e+00 : f32
      %lt3A_1101 = vector.broadcast %lt3A_1100 : f32 to vector<16xf32>
      %lt3A_1102 = arith.cmpf olt, %mul3A_1062, %lt3A_1101 : vector<16xf32>
      %jit3A_1103 = arith.constant 0.000000e+00 : f32
      %broadcast_in_dim3A_1104 = vector.broadcast %jit3A_1103 : f32 to vector<16xf32>
      %select_n3A_1105 = arith.select %lt3A_1102, %add3A_1099, %broadcast_in_dim3A_1104 : vector<16xi1>, vector<16xf32>
      %add3A_1106 = arith.addf %add3A_1033, %select_n3A_1105 : vector<16xf32>
      %mul3A_1107 = arith.mulf %select_n3A_1105, %sub3A_1049 : vector<16xf32>
      %add3A_1108 = arith.addf %add3A_1035, %mul3A_1107 : vector<16xf32>
      %mul3A_1109 = arith.mulf %select_n3A_1105, %sub3A_1050 : vector<16xf32>
      %add3A_1110 = arith.addf %add3A_1037, %mul3A_1109 : vector<16xf32>
      %mul3A_1111 = arith.mulf %select_n3A_1105, %sub3A_1051 : vector<16xf32>
      %add3A_1112 = arith.addf %add3A_1039, %mul3A_1111 : vector<16xf32>
      %mul3A_1113 = arith.constant 16 : i32
      %mul3A_1114 = arith.muli %scan3A_8, %mul3A_1113 : i32
      %get3A_1115 = arith.constant 15 : i32
      %get3A_1116 = arith.index_cast %get3A_1115 : i32 to index
      %get3A_1117 = arith.index_cast %mul3A_1114 : i32 to index
      %get3A_1118 = tpu.vector_load %arg10[%get3A_1116, %get3A_1117] {strides = array<i32>} : memref<16x320xi32, #tpu.memory_space<vmem>>, vector<16xi32>,
      %gather3A_1119 = tpu.vector_load_idx %arg7[%get3A_1118] : memref<10240xf32, #tpu.memory_space<vmem>>[vector<16xi32>], vector<16xf32>,
      %gather3A_1120 = tpu.vector_load_idx %arg8[%get3A_1118] : memref<10240xf32, #tpu.memory_space<vmem>>[vector<16xi32>], vector<16xf32>,
      %gather3A_1121 = tpu.vector_load_idx %arg9[%get3A_1118] : memref<10240xf32, #tpu.memory_space<vmem>>[vector<16xi32>], vector<16xf32>,
      %sub3A_1122 = arith.subf %gather3A_1119, %get3A_12 : vector<16xf32>
      %sub3A_1123 = arith.subf %gather3A_1120, %get3A_14 : vector<16xf32>
      %sub3A_1124 = arith.subf %gather3A_1121, %get3A_16 : vector<16xf32>
      %mul3A_1125 = arith.mulf %sub3A_1122, %sub3A_1122 : vector<16xf32>
      %mul3A_1126 = arith.mulf %sub3A_1123, %sub3A_1123 : vector<16xf32>
      %add3A_1127 = arith.addf %mul3A_1125, %mul3A_1126 : vector<16xf32>
      %mul3A_1128 = arith.mulf %sub3A_1124, %sub3A_1124 : vector<16xf32>
      %add3A_1129 = arith.addf %add3A_1127, %mul3A_1128 : vector<16xf32>
      %add3A_1130 = arith.constant 9.99999971E-10 : f32
      %add3A_1131 = vector.broadcast %add3A_1130 : f32 to vector<16xf32>
      %add3A_1132 = arith.addf %add3A_1129, %add3A_1131 : vector<16xf32>
      %mul3A_1133 = arith.constant 4.000000e-02 : f32
      %mul3A_1134 = vector.broadcast %mul3A_1133 : f32 to vector<16xf32>
      %mul3A_1135 = arith.mulf %add3A_1132, %mul3A_1134 : vector<16xf32>
      %min3A_1136 = arith.constant 1.000000e+00 : f32
      %min3A_1137 = vector.broadcast %min3A_1136 : f32 to vector<16xf32>
      %min3A_1138 = arith.minimumf %mul3A_1135, %min3A_1137 : vector<16xf32>
      %broadcast_in_dim3A_1139 = arith.constant 1.85971248E-6 : f32
      %broadcast_in_dim3A_1140 = vector.broadcast %broadcast_in_dim3A_1139 : f32 to vector<16xf32>
      %mul3A_1141 = arith.mulf %broadcast_in_dim3A_1140, %min3A_1138 : vector<16xf32>
      %add3A_1142 = arith.constant -5.17822955E-5 : f32
      %add3A_1143 = vector.broadcast %add3A_1142 : f32 to vector<16xf32>
      %add3A_1144 = arith.addf %mul3A_1141, %add3A_1143 : vector<16xf32>
      %mul3A_1145 = arith.mulf %add3A_1144, %min3A_1138 : vector<16xf32>
      %add3A_1146 = arith.constant 9.64245526E-4 : f32
      %add3A_1147 = vector.broadcast %add3A_1146 : f32 to vector<16xf32>
      %add3A_1148 = arith.addf %mul3A_1145, %add3A_1147 : vector<16xf32>
      %mul3A_1149 = arith.mulf %add3A_1148, %min3A_1138 : vector<16xf32>
      %add3A_1150 = arith.constant -0.0129031232 : f32
      %add3A_1151 = vector.broadcast %add3A_1150 : f32 to vector<16xf32>
      %add3A_1152 = arith.addf %mul3A_1149, %add3A_1151 : vector<16xf32>
      %mul3A_1153 = arith.mulf %add3A_1152, %min3A_1138 : vector<16xf32>
      %add3A_1154 = arith.constant 0.117665201 : f32
      %add3A_1155 = vector.broadcast %add3A_1154 : f32 to vector<16xf32>
      %add3A_1156 = arith.addf %mul3A_1153, %add3A_1155 : vector<16xf32>
      %mul3A_1157 = arith.mulf %add3A_1156, %min3A_1138 : vector<16xf32>
      %add3A_1158 = arith.constant -0.667631388 : f32
      %add3A_1159 = vector.broadcast %add3A_1158 : f32 to vector<16xf32>
      %add3A_1160 = arith.addf %mul3A_1157, %add3A_1159 : vector<16xf32>
      %mul3A_1161 = arith.mulf %add3A_1160, %min3A_1138 : vector<16xf32>
      %add3A_1162 = arith.constant 2.029356 : f32
      %add3A_1163 = vector.broadcast %add3A_1162 : f32 to vector<16xf32>
      %add3A_1164 = arith.addf %mul3A_1161, %add3A_1163 : vector<16xf32>
      %mul3A_1165 = arith.mulf %add3A_1164, %min3A_1138 : vector<16xf32>
      %add3A_1166 = arith.constant -2.46740103 : f32
      %add3A_1167 = vector.broadcast %add3A_1166 : f32 to vector<16xf32>
      %add3A_1168 = arith.addf %mul3A_1165, %add3A_1167 : vector<16xf32>
      %mul3A_1169 = arith.mulf %add3A_1168, %min3A_1138 : vector<16xf32>
      %add3A_1170 = arith.constant 1.000000e+00 : f32
      %add3A_1171 = vector.broadcast %add3A_1170 : f32 to vector<16xf32>
      %add3A_1172 = arith.addf %mul3A_1169, %add3A_1171 : vector<16xf32>
      %lt3A_1173 = arith.constant 1.000000e+00 : f32
      %lt3A_1174 = vector.broadcast %lt3A_1173 : f32 to vector<16xf32>
      %lt3A_1175 = arith.cmpf olt, %mul3A_1135, %lt3A_1174 : vector<16xf32>
      %jit3A_1176 = arith.constant 0.000000e+00 : f32
      %broadcast_in_dim3A_1177 = vector.broadcast %jit3A_1176 : f32 to vector<16xf32>
      %select_n3A_1178 = arith.select %lt3A_1175, %add3A_1172, %broadcast_in_dim3A_1177 : vector<16xi1>, vector<16xf32>
      %add3A_1179 = arith.addf %add3A_1106, %select_n3A_1178 : vector<16xf32>
      %mul3A_1180 = arith.mulf %select_n3A_1178, %sub3A_1122 : vector<16xf32>
      %add3A_1181 = arith.addf %add3A_1108, %mul3A_1180 : vector<16xf32>
      %mul3A_1182 = arith.mulf %select_n3A_1178, %sub3A_1123 : vector<16xf32>
      %add3A_1183 = arith.addf %add3A_1110, %mul3A_1182 : vector<16xf32>
      %mul3A_1184 = arith.mulf %select_n3A_1178, %sub3A_1124 : vector<16xf32>
      %add3A_1185 = arith.addf %add3A_1112, %mul3A_1184 : vector<16xf32>
      %mul3A_1186 = arith.constant 16 : i32
      %mul3A_1187 = arith.muli %scan3A_8, %mul3A_1186 : i32
      %swap3A = arith.constant 0 : i32
      %swap3A_1188 = arith.index_cast %swap3A : i32 to index
      %swap3A_1189 = arith.index_cast %mul3A_1187 : i32 to index
      %swap3A_1190 = tpu.vector_load %arg11[%swap3A_1188, %swap3A_1189] {strides = array<i32>} : memref<4x320xf32, #tpu.memory_space<vmem>>, vector<16xf32>,
      tpu.vector_store %arg11[%swap3A_1188, %swap3A_1189], %add3A_1179 {strides = array<i32>} : memref<4x320xf32, #tpu.memory_space<vmem>>, vector<16xf32>,
      %mul3A_1191 = arith.constant 16 : i32
      %mul3A_1192 = arith.muli %scan3A_8, %mul3A_1191 : i32
      %swap3A_1193 = arith.constant 1 : i32
      %swap3A_1194 = arith.index_cast %swap3A_1193 : i32 to index
      %swap3A_1195 = arith.index_cast %mul3A_1192 : i32 to index
      %swap3A_1196 = tpu.vector_load %arg11[%swap3A_1194, %swap3A_1195] {strides = array<i32>} : memref<4x320xf32, #tpu.memory_space<vmem>>, vector<16xf32>,
      tpu.vector_store %arg11[%swap3A_1194, %swap3A_1195], %add3A_1181 {strides = array<i32>} : memref<4x320xf32, #tpu.memory_space<vmem>>, vector<16xf32>,
      %mul3A_1197 = arith.constant 16 : i32
      %mul3A_1198 = arith.muli %scan3A_8, %mul3A_1197 : i32
      %swap3A_1199 = arith.constant 2 : i32
      %swap3A_1200 = arith.index_cast %swap3A_1199 : i32 to index
      %swap3A_1201 = arith.index_cast %mul3A_1198 : i32 to index
      %swap3A_1202 = tpu.vector_load %arg11[%swap3A_1200, %swap3A_1201] {strides = array<i32>} : memref<4x320xf32, #tpu.memory_space<vmem>>, vector<16xf32>,
      tpu.vector_store %arg11[%swap3A_1200, %swap3A_1201], %add3A_1183 {strides = array<i32>} : memref<4x320xf32, #tpu.memory_space<vmem>>, vector<16xf32>,
      %mul3A_1203 = arith.constant 16 : i32
      %mul3A_1204 = arith.muli %scan3A_8, %mul3A_1203 : i32
      %swap3A_1205 = arith.constant 3 : i32
      %swap3A_1206 = arith.index_cast %swap3A_1205 : i32 to index
      %swap3A_1207 = arith.index_cast %mul3A_1204 : i32 to index
      %swap3A_1208 = tpu.vector_load %arg11[%swap3A_1206, %swap3A_1207] {strides = array<i32>} : memref<4x320xf32, #tpu.memory_space<vmem>>, vector<16xf32>,
      tpu.vector_store %arg11[%swap3A_1206, %swap3A_1207], %add3A_1185 {strides = array<i32>} : memref<4x320xf32, #tpu.memory_space<vmem>>, vector<16xf32>,
    }
    %scan3A_7 = arith.constant 20 : i32
    "tpu.region"() ({
      %run_scoped3A = tpu.sem_alloc : memref<!tpu.dma_semaphore, #tpu.memory_space<semaphore_mem>>
      %dma_start3A = arith.constant 0 : i32
      %dma_start3A_8 = arith.constant 0 : i32
      %dma_start3A_9 = tpu.memref_slice %arg6[%add3A, %dma_start3A, %dma_start3A_8] : memref<32x4x320xf32, #tpu.memory_space<hbm>> -> memref<1x4x320xf32, #tpu.memory_space<hbm>>
      %dma_start3A_10 = tpu.memref_squeeze %dma_start3A_9 : memref<1x4x320xf32, #tpu.memory_space<hbm>> -> memref<4x320xf32, #tpu.memory_space<hbm>>
      %dma_start3A_11 = arith.constant 0 : i32
      %dma_start3A_12 = arith.constant 0 : i32
      %dma_start3A_13 = tpu.memref_slice %arg6[%add3A, %dma_start3A_11, %dma_start3A_12] : memref<32x4x320xf32, #tpu.memory_space<hbm>> -> memref<1x4x320xf32, #tpu.memory_space<hbm>>
      %dma_start3A_14 = tpu.memref_squeeze %dma_start3A_13 : memref<1x4x320xf32, #tpu.memory_space<hbm>> -> memref<4x320xf32, #tpu.memory_space<hbm>>
      tpu.enqueue_dma source(%arg11 : memref<4x320xf32, #tpu.memory_space<vmem>>) target(%dma_start3A_14 : memref<4x320xf32, #tpu.memory_space<hbm>>) target_semaphore(%run_scoped3A : memref<!tpu.dma_semaphore, #tpu.memory_space<semaphore_mem>>)
      %dma_wait3A = arith.constant 0 : i32
      %dma_wait3A_15 = arith.constant 0 : i32
      %dma_wait3A_16 = tpu.memref_slice %arg6[%add3A, %dma_wait3A, %dma_wait3A_15] : memref<32x4x320xf32, #tpu.memory_space<hbm>> -> memref<1x4x320xf32, #tpu.memory_space<hbm>>
      %dma_wait3A_17 = tpu.memref_squeeze %dma_wait3A_16 : memref<1x4x320xf32, #tpu.memory_space<hbm>> -> memref<4x320xf32, #tpu.memory_space<hbm>>
      %dma_wait3A_18 = arith.constant 0 : i32
      %dma_wait3A_19 = arith.constant 0 : i32
      %dma_wait3A_20 = tpu.memref_slice %arg6[%add3A, %dma_wait3A_18, %dma_wait3A_19] : memref<32x4x320xf32, #tpu.memory_space<hbm>> -> memref<1x4x320xf32, #tpu.memory_space<hbm>>
      %dma_wait3A_21 = tpu.memref_squeeze %dma_wait3A_20 : memref<1x4x320xf32, #tpu.memory_space<hbm>> -> memref<4x320xf32, #tpu.memory_space<hbm>>
      tpu.wait_dma2 semaphore(%run_scoped3A : memref<!tpu.dma_semaphore, #tpu.memory_space<semaphore_mem>>) src(%arg11 : memref<4x320xf32, #tpu.memory_space<vmem>>) dst(%dma_wait3A_21 : memref<4x320xf32, #tpu.memory_space<hbm>>)
      tpu.yield
    }) : () -> ()
    return
  }
}

module attributes {stable_mosaic.version = 14 : i64} {
  func.func @_tc_body(%arg0: i32, %arg1: memref<4xf32, #tpu.memory_space<smem>>, %arg2: memref<1000x4xf32, #tpu.memory_space<vmem>>, %arg3: memref<1000x128xf32, #tpu.memory_space<vmem>>, %arg4: memref<1000x128xf32, #tpu.memory_space<vmem>>, %arg5: memref<1000x128xf32, #tpu.memory_space<vmem>>, %arg6: memref<1000x128xf32, #tpu.memory_space<vmem>>, %arg7: memref<128x128xf32, #tpu.memory_space<vmem>>, %arg8: memref<1x128xf32, #tpu.memory_space<vmem>>, %arg9: memref<128x128xf32, #tpu.memory_space<vmem>>, %arg10: memref<1000x128xf32, #tpu.memory_space<vmem>>, %arg11: memref<1000x128xf32, #tpu.memory_space<vmem>>, %arg12: memref<1000x128xf32, #tpu.memory_space<vmem>>, %arg13: memref<1000x128xf32, #tpu.memory_space<vmem>>) attributes {dimension_semantics = [#tpu.dimension_semantics<arbitrary>], iteration_bounds = array<i64: 10>, scalar_prefetch = 0 : i64, scratch_operands = 0 : i64, tpu.core_type = #tpu.core_type<tc>, window_params = [{transform_indices = @transform_0, window_bounds = array<i64: 4>}, {transform_indices = @transform_1, window_bounds = array<i64: 1000, 4>}, {transform_indices = @transform_2, window_bounds = array<i64: 1000, 128>}, {transform_indices = @transform_3, window_bounds = array<i64: 1000, 128>}, {transform_indices = @transform_4, window_bounds = array<i64: 1000, 128>}, {transform_indices = @transform_5, window_bounds = array<i64: 1000, 128>}, {pipeline_mode = #tpu.pipeline_mode<synchronous>, transform_indices = @transform_6, window_bounds = array<i64: 128, 128>}, {pipeline_mode = #tpu.pipeline_mode<synchronous>, transform_indices = @transform_7, window_bounds = array<i64: 1, 128>}, {pipeline_mode = #tpu.pipeline_mode<synchronous>, transform_indices = @transform_8, window_bounds = array<i64: 128, 128>}, {transform_indices = @transform_9, window_bounds = array<i64: 1000, 128>}, {transform_indices = @transform_10, window_bounds = array<i64: 1000, 128>}, {transform_indices = @transform_11, window_bounds = array<i64: 1000, 128>}, {transform_indices = @transform_12, window_bounds = array<i64: 1000, 128>}]} {
    %get3A = arith.constant 0 : index
    %get3A_0 = arith.constant 0 : index
    %get3A_1 = vector.load %arg2[%get3A, %get3A_0] : memref<1000x4xf32, #tpu.memory_space<vmem>>, vector<1000x1xf32>
    %get3A_2 = arith.constant 0 : index
    %get3A_3 = arith.constant 1 : index
    %get3A_4 = vector.load %arg2[%get3A_2, %get3A_3] : memref<1000x4xf32, #tpu.memory_space<vmem>>, vector<1000x1xf32>
    %get3A_5 = arith.constant 0 : index
    %get3A_6 = arith.constant 2 : index
    %get3A_7 = vector.load %arg2[%get3A_5, %get3A_6] : memref<1000x4xf32, #tpu.memory_space<vmem>>, vector<1000x1xf32>
    %get3A_8 = arith.constant 0 : index
    %get3A_9 = arith.constant 3 : index
    %get3A_10 = vector.load %arg2[%get3A_8, %get3A_9] : memref<1000x4xf32, #tpu.memory_space<vmem>>, vector<1000x1xf32>
    %get3A_11 = arith.constant 0 : index
    %get3A_12 = arith.constant 0 : index
    %get3A_13 = vector.load %arg3[%get3A_11, %get3A_12] : memref<1000x128xf32, #tpu.memory_space<vmem>>, vector<1000x128xf32>
    %get3A_14 = arith.constant 0 : index
    %get3A_15 = arith.constant 0 : index
    %get3A_16 = vector.load %arg4[%get3A_14, %get3A_15] : memref<1000x128xf32, #tpu.memory_space<vmem>>, vector<1000x128xf32>
    %get3A_17 = arith.constant 0 : index
    %get3A_18 = arith.constant 0 : index
    %get3A_19 = vector.load %arg5[%get3A_17, %get3A_18] : memref<1000x128xf32, #tpu.memory_space<vmem>>, vector<1000x128xf32>
    %get3A_20 = arith.constant 0 : index
    %get3A_21 = arith.constant 0 : index
    %get3A_22 = vector.load %arg6[%get3A_20, %get3A_21] : memref<1000x128xf32, #tpu.memory_space<vmem>>, vector<1000x128xf32>
    %mul3A = vector.broadcast %get3A_1 : vector<1000x1xf32> to vector<1000x128xf32>
    %mul3A_23 = arith.mulf %get3A_13, %mul3A : vector<1000x128xf32>
    %mul3A_24 = vector.broadcast %get3A_4 : vector<1000x1xf32> to vector<1000x128xf32>
    %mul3A_25 = arith.mulf %get3A_16, %mul3A_24 : vector<1000x128xf32>
    %add3A = arith.addf %mul3A_23, %mul3A_25 : vector<1000x128xf32>
    %mul3A_26 = vector.broadcast %get3A_7 : vector<1000x1xf32> to vector<1000x128xf32>
    %mul3A_27 = arith.mulf %get3A_19, %mul3A_26 : vector<1000x128xf32>
    %add3A_28 = arith.addf %add3A, %mul3A_27 : vector<1000x128xf32>
    %mul3A_29 = vector.broadcast %get3A_10 : vector<1000x1xf32> to vector<1000x128xf32>
    %mul3A_30 = arith.mulf %get3A_22, %mul3A_29 : vector<1000x128xf32>
    %add3A_31 = arith.addf %add3A_28, %mul3A_30 : vector<1000x128xf32>
    %get3A_32 = arith.constant 0 : index
    %get3A_33 = arith.constant 0 : index
    %get3A_34 = vector.load %arg7[%get3A_32, %get3A_33] : memref<128x128xf32, #tpu.memory_space<vmem>>, vector<128x128xf32>
    %dot_general3A = arith.constant dense<0.000000e+00> : vector<1000x128xf32>
    %dot_general3A_35 = tpu.matmul %add3A_31, %get3A_34, %dot_general3A {dimension_numbers = #tpu.dot_dimension_numbers<[1], [0], [0], [1], [0, 0, 1, 1], [], []>, transpose_lhs_hint = false} : vector<1000x128xf32>, vector<128x128xf32>, vector<1000x128xf32> -> vector<1000x128xf32>
    %get3A_36 = arith.constant 0 : index
    %get3A_37 = arith.constant 0 : index
    %get3A_38 = vector.load %arg8[%get3A_36, %get3A_37] : memref<1x128xf32, #tpu.memory_space<vmem>>, vector<1x128xf32>
    %add3A_39 = vector.broadcast %get3A_38 : vector<1x128xf32> to vector<1000x128xf32>
    %add3A_40 = arith.addf %dot_general3A_35, %add3A_39 : vector<1000x128xf32>
    %get3A_41 = arith.constant 0 : index
    %get3A_42 = arith.constant 0 : index
    %get3A_43 = vector.load %arg9[%get3A_41, %get3A_42] : memref<128x128xf32, #tpu.memory_space<vmem>>, vector<128x128xf32>
    %mul3A_44 = vector.broadcast %get3A_4 : vector<1000x1xf32> to vector<1000x128xf32>
    %mul3A_45 = arith.mulf %get3A_13, %mul3A_44 : vector<1000x128xf32>
    %mul3A_46 = vector.broadcast %get3A_1 : vector<1000x1xf32> to vector<1000x128xf32>
    %mul3A_47 = arith.mulf %get3A_16, %mul3A_46 : vector<1000x128xf32>
    %add3A_48 = arith.addf %mul3A_45, %mul3A_47 : vector<1000x128xf32>
    %dot_general3A_49 = arith.constant dense<0.000000e+00> : vector<1000x128xf32>
    %dot_general3A_50 = tpu.matmul %add3A_48, %get3A_43, %dot_general3A_49 {dimension_numbers = #tpu.dot_dimension_numbers<[1], [0], [0], [1], [0, 0, 1, 1], [], []>, transpose_lhs_hint = false} : vector<1000x128xf32>, vector<128x128xf32>, vector<1000x128xf32> -> vector<1000x128xf32>
    %mul3A_51 = vector.broadcast %get3A_7 : vector<1000x1xf32> to vector<1000x128xf32>
    %mul3A_52 = arith.mulf %get3A_13, %mul3A_51 : vector<1000x128xf32>
    %mul3A_53 = vector.broadcast %get3A_1 : vector<1000x1xf32> to vector<1000x128xf32>
    %mul3A_54 = arith.mulf %get3A_19, %mul3A_53 : vector<1000x128xf32>
    %add3A_55 = arith.addf %mul3A_52, %mul3A_54 : vector<1000x128xf32>
    %dot_general3A_56 = arith.constant dense<0.000000e+00> : vector<1000x128xf32>
    %dot_general3A_57 = tpu.matmul %add3A_55, %get3A_43, %dot_general3A_56 {dimension_numbers = #tpu.dot_dimension_numbers<[1], [0], [0], [1], [0, 0, 1, 1], [], []>, transpose_lhs_hint = false} : vector<1000x128xf32>, vector<128x128xf32>, vector<1000x128xf32> -> vector<1000x128xf32>
    %mul3A_58 = vector.broadcast %get3A_10 : vector<1000x1xf32> to vector<1000x128xf32>
    %mul3A_59 = arith.mulf %get3A_13, %mul3A_58 : vector<1000x128xf32>
    %mul3A_60 = vector.broadcast %get3A_1 : vector<1000x1xf32> to vector<1000x128xf32>
    %mul3A_61 = arith.mulf %get3A_22, %mul3A_60 : vector<1000x128xf32>
    %add3A_62 = arith.addf %mul3A_59, %mul3A_61 : vector<1000x128xf32>
    %dot_general3A_63 = arith.constant dense<0.000000e+00> : vector<1000x128xf32>
    %dot_general3A_64 = tpu.matmul %add3A_62, %get3A_43, %dot_general3A_63 {dimension_numbers = #tpu.dot_dimension_numbers<[1], [0], [0], [1], [0, 0, 1, 1], [], []>, transpose_lhs_hint = false} : vector<1000x128xf32>, vector<128x128xf32>, vector<1000x128xf32> -> vector<1000x128xf32>
    %get3A_65 = arith.constant 0 : index
    %get3A_66 = memref.load %arg1[%get3A_65] : memref<4xf32, #tpu.memory_space<smem>>
    %get3A_67 = arith.constant 1 : index
    %get3A_68 = memref.load %arg1[%get3A_67] : memref<4xf32, #tpu.memory_space<smem>>
    %get3A_69 = arith.constant 2 : index
    %get3A_70 = memref.load %arg1[%get3A_69] : memref<4xf32, #tpu.memory_space<smem>>
    %get3A_71 = arith.constant 3 : index
    %get3A_72 = memref.load %arg1[%get3A_71] : memref<4xf32, #tpu.memory_space<smem>>
    %mul3A_73 = vector.broadcast %get3A_66 : f32 to vector<1000x128xf32>
    %mul3A_74 = arith.mulf %mul3A_73, %add3A_40 : vector<1000x128xf32>
    %add3A_75 = vector.broadcast %get3A_68 : f32 to vector<1000x128xf32>
    %add3A_76 = arith.addf %mul3A_74, %add3A_75 : vector<1000x128xf32>
    %logistic3A = arith.negf %add3A_76 : vector<1000x128xf32>
    %logistic3A_77 = math.exp %logistic3A : vector<1000x128xf32>
    %logistic3A_78 = arith.constant 1.000000e+00 : f32
    %logistic3A_79 = vector.broadcast %logistic3A_78 : f32 to vector<1000x128xf32>
    %logistic3A_80 = arith.addf %logistic3A_79, %logistic3A_77 : vector<1000x128xf32>
    %logistic3A_81 = arith.divf %logistic3A_79, %logistic3A_80 : vector<1000x128xf32>
    %mul3A_82 = arith.mulf %add3A_76, %logistic3A_81 : vector<1000x128xf32>
    %swap3A = arith.constant 0 : index
    %swap3A_83 = arith.constant 0 : index
    %swap3A_84 = vector.load %arg10[%swap3A, %swap3A_83] : memref<1000x128xf32, #tpu.memory_space<vmem>>, vector<1000x128xf32>
    tpu.vector_store %arg10[%swap3A, %swap3A_83], %mul3A_82 {strides = array<i32>} : memref<1000x128xf32, #tpu.memory_space<vmem>>, vector<1000x128xf32>,
    %mul3A_85 = arith.mulf %dot_general3A_50, %dot_general3A_50 : vector<1000x128xf32>
    %mul3A_86 = arith.mulf %dot_general3A_57, %dot_general3A_57 : vector<1000x128xf32>
    %add3A_87 = arith.addf %mul3A_85, %mul3A_86 : vector<1000x128xf32>
    %mul3A_88 = arith.mulf %dot_general3A_64, %dot_general3A_64 : vector<1000x128xf32>
    %add3A_89 = arith.addf %add3A_87, %mul3A_88 : vector<1000x128xf32>
    %add3A_90 = arith.constant 9.99999971E-10 : f32
    %add3A_91 = vector.broadcast %add3A_90 : f32 to vector<1000x128xf32>
    %add3A_92 = arith.addf %add3A_89, %add3A_91 : vector<1000x128xf32>
    %sqrt3A = math.sqrt %add3A_92 : vector<1000x128xf32>
    %mul3A_93 = vector.broadcast %get3A_70 : f32 to vector<1000x128xf32>
    %mul3A_94 = arith.mulf %mul3A_93, %sqrt3A : vector<1000x128xf32>
    %add3A_95 = vector.broadcast %get3A_72 : f32 to vector<1000x128xf32>
    %add3A_96 = arith.addf %mul3A_94, %add3A_95 : vector<1000x128xf32>
    %logistic3A_97 = arith.negf %add3A_96 : vector<1000x128xf32>
    %logistic3A_98 = math.exp %logistic3A_97 : vector<1000x128xf32>
    %logistic3A_99 = arith.constant 1.000000e+00 : f32
    %logistic3A_100 = vector.broadcast %logistic3A_99 : f32 to vector<1000x128xf32>
    %logistic3A_101 = arith.addf %logistic3A_100, %logistic3A_98 : vector<1000x128xf32>
    %logistic3A_102 = arith.divf %logistic3A_100, %logistic3A_101 : vector<1000x128xf32>
    %mul3A_103 = arith.mulf %add3A_96, %logistic3A_102 : vector<1000x128xf32>
    %mul3A_104 = arith.mulf %mul3A_103, %dot_general3A_50 : vector<1000x128xf32>
    %swap3A_105 = arith.constant 0 : index
    %swap3A_106 = arith.constant 0 : index
    %swap3A_107 = vector.load %arg11[%swap3A_105, %swap3A_106] : memref<1000x128xf32, #tpu.memory_space<vmem>>, vector<1000x128xf32>
    tpu.vector_store %arg11[%swap3A_105, %swap3A_106], %mul3A_104 {strides = array<i32>} : memref<1000x128xf32, #tpu.memory_space<vmem>>, vector<1000x128xf32>,
    %mul3A_108 = arith.mulf %mul3A_103, %dot_general3A_57 : vector<1000x128xf32>
    %swap3A_109 = arith.constant 0 : index
    %swap3A_110 = arith.constant 0 : index
    %swap3A_111 = vector.load %arg12[%swap3A_109, %swap3A_110] : memref<1000x128xf32, #tpu.memory_space<vmem>>, vector<1000x128xf32>
    tpu.vector_store %arg12[%swap3A_109, %swap3A_110], %mul3A_108 {strides = array<i32>} : memref<1000x128xf32, #tpu.memory_space<vmem>>, vector<1000x128xf32>,
    %mul3A_112 = arith.mulf %mul3A_103, %dot_general3A_64 : vector<1000x128xf32>
    %swap3A_113 = arith.constant 0 : index
    %swap3A_114 = arith.constant 0 : index
    %swap3A_115 = vector.load %arg13[%swap3A_113, %swap3A_114] : memref<1000x128xf32, #tpu.memory_space<vmem>>, vector<1000x128xf32>
    tpu.vector_store %arg13[%swap3A_113, %swap3A_114], %mul3A_112 {strides = array<i32>} : memref<1000x128xf32, #tpu.memory_space<vmem>>, vector<1000x128xf32>,
    return
  }
  func.func @transform_0(%arg0: i32) -> i32 {
    %c0_i32 = arith.constant 0 : i32
    %c0_i32_0 = arith.constant 0 : i32
    return %c0_i32 : i32
  }
  func.func @transform_1(%arg0: i32) -> (i32, i32) {
    %c0_i32 = arith.constant 0 : i32
    %c0_i32_0 = arith.constant 0 : i32
    return %arg0, %c0_i32 : i32, i32
  }
  func.func @transform_2(%arg0: i32) -> (i32, i32) {
    %c0_i32 = arith.constant 0 : i32
    %c0_i32_0 = arith.constant 0 : i32
    return %arg0, %c0_i32 : i32, i32
  }
  func.func @transform_3(%arg0: i32) -> (i32, i32) {
    %c0_i32 = arith.constant 0 : i32
    %c0_i32_0 = arith.constant 0 : i32
    return %arg0, %c0_i32 : i32, i32
  }
  func.func @transform_4(%arg0: i32) -> (i32, i32) {
    %c0_i32 = arith.constant 0 : i32
    %c0_i32_0 = arith.constant 0 : i32
    return %arg0, %c0_i32 : i32, i32
  }
  func.func @transform_5(%arg0: i32) -> (i32, i32) {
    %c0_i32 = arith.constant 0 : i32
    %c0_i32_0 = arith.constant 0 : i32
    return %arg0, %c0_i32 : i32, i32
  }
  func.func @transform_6(%arg0: i32) -> (i32, i32) {
    %c0_i32 = arith.constant 0 : i32
    %c0_i32_0 = arith.constant 0 : i32
    %c0_i32_1 = arith.constant 0 : i32
    return %c0_i32, %c0_i32_0 : i32, i32
  }
  func.func @transform_7(%arg0: i32) -> (i32, i32) {
    %c0_i32 = arith.constant 0 : i32
    %c0_i32_0 = arith.constant 0 : i32
    %c0_i32_1 = arith.constant 0 : i32
    return %c0_i32, %c0_i32_0 : i32, i32
  }
  func.func @transform_8(%arg0: i32) -> (i32, i32) {
    %c0_i32 = arith.constant 0 : i32
    %c0_i32_0 = arith.constant 0 : i32
    %c0_i32_1 = arith.constant 0 : i32
    return %c0_i32, %c0_i32_0 : i32, i32
  }
  func.func @transform_9(%arg0: i32) -> (i32, i32) {
    %c0_i32 = arith.constant 0 : i32
    %c0_i32_0 = arith.constant 0 : i32
    return %arg0, %c0_i32 : i32, i32
  }
  func.func @transform_10(%arg0: i32) -> (i32, i32) {
    %c0_i32 = arith.constant 0 : i32
    %c0_i32_0 = arith.constant 0 : i32
    return %arg0, %c0_i32 : i32, i32
  }
  func.func @transform_11(%arg0: i32) -> (i32, i32) {
    %c0_i32 = arith.constant 0 : i32
    %c0_i32_0 = arith.constant 0 : i32
    return %arg0, %c0_i32 : i32, i32
  }
  func.func @transform_12(%arg0: i32) -> (i32, i32) {
    %c0_i32 = arith.constant 0 : i32
    %c0_i32_0 = arith.constant 0 : i32
    return %arg0, %c0_i32 : i32, i32
  }
}

</mosaic_0001>

<sc_bundles>
// kernel: kernel.4.cloned.1.call-start
scs
__scs_entry_jumppad:
0x0: {  	(pc) =	sbr.rel $0x88, $3  }
0x1: {  	(tag) =	ssettag $0x0;
	lr =	simm.s32 $0x1  }
0x2: {  	[smem:$0x3F98] =	sst lr;
	_ =	strace $0xD0000000  }
0x3: {  	_ = 	snop  }
0x4: {  	_ = 	snop  }
0x5: {  	_ = 	snop  }
0x6: {  	_ = 	snop  }
0x7: {  	_ = 	snop  }
__scs_overlays_trampoline_lowered:
0x8: {  	[smem:$0x3FA7] =	sst s0  }
0x9: {  	[smem:$0x3FA8] =	sst s1  }
0xa: {  	[smem:$0x3FA9] =	sst s2  }
0xb: {  	[smem:$0x3FAA] =	sst s3  }
0xc: {  	[smem:$0x3FAB] =	sst s4  }
0xd: {  	[smem:$0x3FAC] =	sst s5  }
0xe: {  	[smem:$0x3FAD] =	sst s6  }
0xf: {  	[smem:$0x3FAE] =	sst s7  }
0x10: {  	[smem:$0x3FAF] =	sst s8  }
0x11: {  	[smem:$0x3FB0] =	sst s9;
	s0 =	simm.s32 @!p0 $0x0  }
0x12: {  	s1 =	sld [smem:$0x3F96];
	s0 =	simm.s32 @p0 $0x1  }
0x13: {  	[smem:$0x3FB1] =	sst s0;
	s0 =	simm.s32 @!p1 $0x0  }
0x14: {  	s2 =	sld [smem:$0x3F95];
	s0 =	simm.s32 @p1 $0x1  }
0x15: {  	[smem:$0x3FB2] =	sst s0;
	s0 =	simm.s32 @!p2 $0x0  }
0x16: {  	s3 =	sld [smem:$0x3FDB];
	s0 =	simm.s32 @p2 $0x1  }
0x17: {  	s4 =	simm.s32 $0x1BF5;
	[smem:$0x3FB4] =	sst s0  }
0x18: {  	s0 =	sld [smem:$0x3F97];
	_ =	swait.ge [sflag:s4], $0x0  }
0x19: {  	s7 =	sld [smem:$0x3F98]  }
0x1a: {  	s8 =	sadd.s32 $0xFFFFE003, lr  }
0x1b: {  	s9 =	sadd.s32 $0xFFFFFEF7, lr;
	s5 =	simm.s32 $0xFFFFFFFF;
	p2 =	slt.u32 s8, $0xFFFFF086  }
0x1c: {  	p1 =	slt.u32 s9, $0xF7A;
	s5 =	simm.s32 @!p2 $0x0  }
0x1d: {  	s5 =	simm.s32 @p1 $0x1;
	p0 =	seq.s32 s7, s2  }
0x1e: {  	s7 =	smul.u32 @!p0 $0xF7A, s2;
	p2 =	seq.s32 @!p0 s5, $0x0  }
0x1f: {  	s9 =	smul.u32 $0xF7A, s1;
	s8 =	simm.s32 @!p0 $0x1BF5;
	p2 =	por !p2, p0  }
0x20: {  	[sflag:s8] =	ssyncset.s32 @!p0 $0xFFFFF086;
	s6 =	sadd.s32 @!p0 s3, s7;
	s7 =	simm.s32 @!p0 $0x108  }
0x21: {  	s3 =	sadd.s32 s3, s9;
	s6 =	sadd.s32 @!p0 $0x88, s6;
	s7 =	simm.s32 @p2 $0x1082  }
0x22: {  	[simem:s7], [sflag:s8] =	dma.local @!p0 [hbm:s6], $0xF7A  }
0x23: {  	s9 =	sor.u32 $0xD0000000, s2;
	s6 =	simm.s32 $0x108;
	_ =	swait.ge @!p0 [sflag:s8], $0x0  }
0x24: {  	s3 =	sadd.s32 $0x88, s3;
	s6 =	simm.s32 @!p1 $0x1082;
	[sflag:s4] =	ssyncset.s32 $0xFFFFF086  }
0x25: {  	[simem:s6], [sflag:s4] =	dma.local [hbm:s3], $0xF7A  }
0x26: {  	[smem:$0x3F98] =	sst s1;
	(tag) =	ssettag s2;
	_ =	strace s9  }
0x27: {  	s1 =	sld [smem:$0x3FA8]  }
0x28: {  	s2 =	sld [smem:$0x3FA9]  }
0x29: {  	s4 =	sld [smem:$0x3FAB]  }
0x2a: {  	p0 =	seq.s32 s5, $0x0;
	s5 =	sld [smem:$0x3FAC]  }
0x2b: {  	s6 =	sld [smem:$0x3FAD]  }
0x2c: {  	s7 =	sld [smem:$0x3FAE]  }
0x2d: {  	s3 =	simm.s32 $0x108;
	s8 =	sld [smem:$0x3FAF]  }
0x2e: {  	s3 =	simm.s32 @!p0 $0x1082;
	s9 =	sld [smem:$0x3FB0]  }
0x2f: {  	lr =	sadd.s32 s0, s3;
	s0 =	sld [smem:$0x3FA7]  }
0x30: {  	s3 =	sld [smem:$0x3FAA]  }
0x31: {  	[smem:$0x3FB3] =	sst s10  }
0x32: {  	s10 =	sld [smem:$0x3FB1];
	_ =	sdelay $0x3  }
0x33: {  	p0 =	seq.s32 s10, $0x1;
	s10 =	sld [smem:$0x3FB3];
	_ =	sdelay $0x3  }
0x34: {  	[smem:$0x3FB3] =	sst s10  }
0x35: {  	s10 =	sld [smem:$0x3FB2];
	_ =	sdelay $0x3  }
0x36: {  	p1 =	seq.s32 s10, $0x1;
	s10 =	sld [smem:$0x3FB3];
	_ =	sdelay $0x3  }
0x37: {  	[smem:$0x3FB3] =	sst s10  }
0x38: {  	s10 =	sld [smem:$0x3FB4]  }
0x39: {  	_ = 	snop;
	(pc) =	sbr.ind lr, $3  }
0x3a: {  	_ = 	snop  }
0x3b: {  	_ = 	snop  }
0x3c: {  	p2 =	seq.s32 s10, $0x1;
	s10 =	sld [smem:$0x3FB3]  }
0x3d: {  	_ =	shalt  }
0x3e: {  	_ =	shalt  }
0x3f: {  	_ =	shalt  }
0x40: {  	_ =	shalt  }
0x41: {  	_ =	shalt  }
0x42: {  	_ =	shalt  }
0x43: {  	_ =	shalt  }
0x44: {  	_ =	shalt  }
0x45: {  	_ =	shalt  }
0x46: {  	_ =	shalt  }
0x47: {  	_ =	shalt  }
0x48: {  	_ =	shalt  }
0x49: {  	_ =	shalt  }
0x4a: {  	_ =	shalt  }
0x4b: {  	_ =	shalt  }
0x4c: {  	_ =	shalt  }
0x4d: {  	_ =	shalt  }
0x4e: {  	_ =	shalt  }
0x4f: {  	_ =	shalt  }
0x50: {  	_ =	shalt  }
0x51: {  	_ =	shalt  }
0x52: {  	_ =	shalt  }
0x53: {  	_ =	shalt  }
0x54: {  	_ =	shalt  }
0x55: {  	_ =	shalt  }
0x56: {  	_ =	shalt  }
0x57: {  	_ =	shalt  }
0x58: {  	_ =	shalt  }
0x59: {  	_ =	shalt  }
0x5a: {  	_ =	shalt  }
0x5b: {  	_ =	shalt  }
0x5c: {  	_ =	shalt  }
0x5d: {  	_ =	shalt  }
0x5e: {  	_ =	shalt  }
0x5f: {  	_ =	shalt  }
0x60: {  	_ =	shalt  }
0x61: {  	_ =	shalt  }
0x62: {  	_ =	shalt  }
0x63: {  	_ =	shalt  }
0x64: {  	_ =	shalt  }
0x65: {  	_ =	shalt  }
0x66: {  	_ =	shalt  }
0x67: {  	_ =	shalt  }
0x68: {  	_ =	shalt  }
0x69: {  	_ =	shalt  }
0x6a: {  	_ =	shalt  }
0x6b: {  	_ =	shalt  }
0x6c: {  	_ =	shalt  }
0x6d: {  	_ =	shalt  }
0x6e: {  	_ =	shalt  }
0x6f: {  	_ =	shalt  }
0x70: {  	_ =	shalt  }
0x71: {  	_ =	shalt  }
0x72: {  	_ =	shalt  }
0x73: {  	_ =	shalt  }
0x74: {  	_ =	shalt  }
0x75: {  	_ =	shalt  }
0x76: {  	_ =	shalt  }
0x77: {  	_ =	shalt  }
0x78: {  	_ =	shalt  }
0x79: {  	_ =	shalt  }
0x7a: {  	_ =	shalt  }
0x7b: {  	_ =	shalt  }
0x7c: {  	_ =	shalt  }
0x7d: {  	_ =	shalt  }
0x7e: {  	_ =	shalt  }
0x7f: {  	_ =	shalt  }
0x80: {  	_ =	shalt  }
0x81: {  	_ =	shalt  }
0x82: {  	_ =	shalt  }
0x83: {  	_ =	shalt  }
0x84: {  	_ =	shalt  }
0x85: {  	_ =	shalt  }
0x86: {  	_ =	shalt  }
0x87: {  	_ =	shalt  }
.Lfunc_end0:
.L_simem_size_0:
called_computation_lowered:
.L_overlay_start_0:
0x88: {  	s2 =	sld [smem:$0x3FD9]  }
0x89: {  	s3 =	sld [smem:$0x3FFE];
	_ =	sdelay $0x1  }
0x8a: {  	s1 =	srdreg.scid  }
0x8b: {  	s0 =	sand.u32 $0x1, s1  }
0x8c: {  	s14 =	sshll.u32 s0, $0xA;
	s2 =	sadd.s32 s3, s2  }
0x8d: {  	s2 =	sadd.s32 s2, s14  }
0x8e: {  	[smem:$0x3FBF] =	sst s2  }
0x8f: {  	_ = 	snop  }
0x90: {  	s2 =	sld [smem:$0x3FD0];
	_ =	sdelay $0x2  }
0x91: {  	s15 =	simm.s32 $0xA;
	s4 =	simm.s32 $0x10  }
0x92: {  	[smem:s4], [sflag:s15] =	dma.local [hbm:s2], $0x1  }
0x93: {  	_ =	swait.eq [sflag:s15], $0x1  }
0x94: {  	[sflag:s15] =	ssyncset.done $0x0  }
0x95: {  	[sflag:s15] =	ssyncadd.s32 $0xFFFFFFFF  }
0x96: {  	s16 =	sld [smem:$0x10];
	(tm) =	ssettm $0x1  }
0x97: {  	s17 =	sld [smem:$0x3FFB];
	_ =	sdelay $0x3  }
0x98: {  	_ =	strace s17  }
0x99: {  	s3 =	sld [smem:$0x3FFC];
	_ =	sdelay $0x3  }
0x9a: {  	_ =	strace s3  }
0x9b: {  	s3 =	sld [smem:$0x3FFD];
	_ =	sdelay $0x3  }
0x9c: {  	_ =	strace s3  }
0x9d: {  	_ =	strace $0x8FFFFFFF  }
0x9e: {  	s18 =	sld [smem:$0x3FDB];
	_ =	sdelay $0x1  }
0x9f: {  	s19 =	simm.s32 $_scs_section_size  }
0xa0: {  	s5 =	simm.s32 $_size__tile_overlayer_lowered;
	s6 =	simm.s32 $_tile_overlayer_lowered  }
0xa1: {  	s22 =	simm.s32 $0x1BFF;
	s21 =	sshll.u32 s6, $0x1;
	s3 =	sadd.s32 s19, s18  }
0xa2: {  	s7 =	simm.s32 $0x0;
	s20 =	sshll.u32 s5, $0x1;
	s5 =	sadd.s32 s21, s3  }
0xa3: {  	[timem:s7], [sflag:s22] =	dma.local [hbm:s5], s20  }
0xa4: {  	_ =	swait.ge [sflag:s22], s20  }
0xa5: {  	s4 =	ssub.s32 $0x0, s20;
	[sflag:s22] =	ssyncset.done $0x0  }
0xa6: {  	[sflag:s22] =	ssyncadd.s32 s4;
	_ =	sdelay $0x1  }
0xa7: {  	s23 =	simm.s32 $0x1B8B  }
0xa8: {  	_ =	swait.ge [sflag:s23], $0x1  }
0xa9: {  	[sflag:s23] =	ssyncset.done $0x0  }
0xaa: {  	s25 =	simm.s32 $0x1B8E;
	s24 =	sld [smem:$0x3FFE];
	[sflag:s23] =	ssyncadd.s32 $0xFFFFFFFF  }
0xab: {  	s26 =	simm.s32 $execute0_lowered;
	[smem:$0x3FD2] =	sst s25  }
0xac: {  	s5 =	sshll.u32 s26, $0x1;
	_ =	strace $0x80000046;
	[dreg:$0x1] =	wrdreg $0xFFFFFFFF  }
0xad: {  	s28 =	simm.s32 $_size_execute0_lowered;
	s3 =	sadd.s32 s3, s5;
	[dreg:$0x0] =	wrdreg $0x0  }
0xae: {  	s5 =	sshll.u32 s28, $0x1;
	[dreg:$0x2] =	wrdreg s3  }
0xaf: {  	[dreg:$0x3] =	wrdreg s5  }
0xb0: {  	[dreg:$0x4] =	wrdreg $0xC0  }
0xb1: {  	_ =	task [dreg:s7], $0x5FFFF  }
0xb2: {  	[dreg:$0x1] =	wrdreg $0xFFFFFFFF  }
0xb3: {  	[dreg:$0x0] =	wrdreg $0x60  }
0xb4: {  	[dreg:$0x2] =	wrdreg s24  }
0xb5: {  	[dreg:$0x3] =	wrdreg s16  }
0xb6: {  	[dreg:$0x4] =	wrdreg $0x9  }
0xb7: {  	_ =	task.clear_ibuf [dreg:s7], $0x5FFFF;
	_ =	strace $0x90000046  }
0xb8: {  	s29 =	simm.s32 $0x9;
	_ =	strace $0x80000048  }
0xb9: {  	_ =	swait.ge [sflag:s29], $0x1  }
0xba: {  	[sflag:s29] =	ssyncadd.s32 $0xFFFFFFFF  }
0xbb: {  	_ =	strace $0x90000048  }
0xbc: {  	_ =	sfence  }
0xbd: {  	s30 =	sld [smem:$0x0];
	_ =	sdelay $0x2  }
0xbe: {  	s31 =	sshll.u32 s1, $0xD;
	s1 =	sshrl.u32 s1, $0x2  }
0xbf: {  	s3 =	sand.u32 $0x4000, s31;
	s1 =	sadd.s32 s1, s30  }
0xc0: {  	s0 =	sor.u32 s3, s0;
	s1 =	sshll.u32 s1, $0x11  }
0xc1: {  	s0 =	sor.u32 s1, s0  }
0xc2: {  	s0 =	sadd.s32 $0x8F2B, s0  }
0xc3: {  	[sflag:s0] =	ssyncadd.remote.s32 $0x1  }
0xc4: {  	_ =	sfence.sel $0xFFFF  }
0xc5: {  	[dreg:$0x0] =	wrdreg $0xFFFFFFFF;
	(pc) =	sbr.abs _section_cstart, $3  }
0xc6: {  	[dreg:$0x1] =	wrdreg $0xFFFFFFFF  }
0xc7: {  	_ =	task.clear_ibuf [dreg:s7], $0x2FFFF;
	_ =	strace $0x9FFFFFFF  }
0xc8: {  	(tm) =	ssettm $0x7FFFFFFF  }
0xc9: {  	_ =	shalt  }
tec
execute0_lowered:
.L_overlay_start_1:
0x0: {  	(tag) =	ssettag $0x1  }
0x1: {  	s6 =	rddreg [dreg:$0x0];
	s1 =	srdreg.scid  }
0x2: {  	s0 =	stileid.u32;
	s7 =	rddreg [dreg:$0x1];
	s2 =	simm.s32 $0x0  }
0x3: {  	s14 =	simm.s32 $0x5000;
	s15 =	simm.s32 $0x7800;
	s16 =	simm.s32 $0x9000  }
0x4: {  	s17 =	simm.s32 $0x0;
	s5 =	sand.u32 $0x1, s1;
	s1 =	rddreg [dreg:$0x2]  }
0x5: {  	s3 =	sshll.u32 s0, $0x1;
	[smem:$0x7FF] =	sst s2;
	s10 =	smul.u32 $0xA00, s0  }
0x6: {  	s4 =	sadd.s32 $0xC00, s6;
	s8 =	sor.u32 s5, s3;
	_ =	strace $0x80000047  }
0x7: {  	s3 =	sadd.s32 $0x1200, s6;
	s11 =	ssub.s32 $0x2, s5;
	s12 =	smul.u32 $0x500, s5  }
0x8: {  	s5 =	sadd.s32 $0x600, s6;
	s9 =	smul.u32 $0xC0, s8;
	s13 =	sshrl.u32 s11, $0x1  }
0x9: {  	s8 =	smul.u32 $0x300, s8;
	s11 =	ssub.s32 s11, s13;
	s10 =	sadd.s32 s12, s10  }
0xa: {  	s12 =	simm.s32 $0x1;
	s13 =	simm.s32 $0x2800;
	s9 =	sadd.s32 s9, s6  }
0xb: {  	s6 =	sadd.s32 s7, s8;
	s8 =	sshrl.u32 s10, $0x2;
	s7 =	sadd.s32 $0x1800, s9  }
0xc: {  	s9 =	smax.u32 s11, $0x1;
	s10 =	sadd.s32 $0x2800, s8;
	s11 =	sadd.s32 $0x5000, s8  }
.LBB2_1:
0xd: {  	[tilespmem:s2], [sflag:$0x1] =	stream.linear.gather [hbm4b:s3+s2], $0x2800, $0x38;
	[tilespmem:$0x9600] =	vst v63  }
0xe: {  	_ =	swait.ge [sflag:s12], $0x2800  }
0xf: {  	[sflag:s12] =	ssyncset.done $0x0  }
0x10: {  	[sflag:s12] =	ssyncadd.s32 $0xFFFFD800  }
0x11: {  	[tilespmem:s13], [sflag:$0x1] =	stream.linear.gather [hbm4b:s4+s2], $0x2800, $0x38;
	[tilespmem:$0x9600] =	vst v63  }
0x12: {  	_ =	swait.ge [sflag:s12], $0x2800  }
0x13: {  	[sflag:s12] =	ssyncset.done $0x0  }
0x14: {  	[sflag:s12] =	ssyncadd.s32 $0xFFFFD800  }
0x15: {  	[tilespmem:s14], [sflag:$0x1] =	stream.linear.gather [hbm4b:s5+s2], $0x2800, $0x38;
	[tilespmem:$0x9600] =	vst v63  }
0x16: {  	_ =	swait.ge [sflag:s12], $0x2800  }
0x17: {  	[sflag:s12] =	ssyncset.done $0x0  }
0x18: {  	[sflag:s12] =	ssyncadd.s32 $0xFFFFD800  }
0x19: {  	[tilespmem:s15], [sflag:$0x1] =	stream.linear.gather [hbm4b:s6+s2], $0x1800, $0x38;
	[tilespmem:$0x9600] =	vst v63  }
0x1a: {  	s18 =	smov.u32 s11;
	_ =	swait.ge [sflag:s12], $0x1800  }
0x1b: {  	s19 =	smov.u32 s10;
	s20 =	smov.u32 s8;
	[sflag:s12] =	ssyncset.done $0x0  }
0x1c: {  	s21 =	simm.s32 $0x0;
	s22 =	simm.s32 $0x0;
	[sflag:s12] =	ssyncadd.s32 $0xFFFFE800  }
.LBB2_2:
0x1d: {  	s24 =	sshll.u32 s22, $0x7  }
0x1e: {  	s23 =	sand.u32 $0x70, s21;
	s24 =	sand.u32 $0x3FFFFC00, s24  }
0x1f: {  	s24 =	sor.u32 s23, s24  }
0x20: {  	v3 =	vld [tilespmem:s24+$0x7800];
	_ =	sdelay $0x4  }
0x21: {  	v0 =	vld [tilespmem:s20+$0x0]  }
0x22: {  	v1 =	vld [tilespmem:s19+$0x0]  }
0x23: {  	v6 =	vld [tilespmem:s24+$0x7880]  }
0x24: {  	v4 =	vld.idx.msk [tilespmem:v3+s2+$0x0], $0xffff  }
0x25: {  	v5 =	vld.idx.msk [tilespmem:v3+s13+$0x0], $0xffff  }
0x26: {  	v2 =	vld [tilespmem:s18+$0x0]  }
0x27: {  	v3 =	vld.idx.msk [tilespmem:v3+s14+$0x0], $0xffff;
	_ =	sdelay $0x2  }
0x28: {  	v4 =	vsub.f32 v4, v0;
	v5 =	vsub.f32 v5, v1  }
0x29: {  	v9 =	vld.idx.msk [tilespmem:v6+s2+$0x0], $0xffff  }
0x2a: {  	v10 =	vld.idx.msk [tilespmem:v6+s13+$0x0], $0xffff;
	v8 =	vsub.f32 v3, v2;
	v29 =	vmul.f32 v4, v4;
	v7 =	vmul.f32 v5, v5;
	_ =	sdelay $0x1  }
0x2b: {  	v6 =	vld.idx.msk [tilespmem:v6+s14+$0x0], $0xffff;
	v30 =	vmul.f32 v8, v8;
	v3 =	vadd.f32 v7, v29;
	_ =	sdelay $0x1  }
0x2c: {  	v31 =	vld [tilespmem:s24+$0x7900];
	v3 =	vadd.f32 v30, v3  }
0x2d: {  	v16 =	vsub.f32 v9, v0;
	v9 =	vsub.f32 v10, v1  }
0x2e: {  	v3 =	vadd.f32 $9.999999710e-10, v3  }
0x2f: {  	v32 =	vmul.f32 v16, v16;
	v33 =	vmul.f32 v9, v9;
	v7 =	vsub.f32 v6, v2  }
0x30: {  	v18 =	vmul.f32 $3.999999910e-02, v3  }
0x31: {  	v34 =	vmul.f32 v7, v7;
	v3 =	vadd.f32 v33, v32  }
0x32: {  	v14 =	vld [tilespmem:s24+$0x7980];
	v19 =	vmin.f32 v18, $1.000000000e+00  }
0x33: {  	v3 =	vadd.f32 v34, v3;
	v11 =	vmul.f32 $1.859712480e-06, v19  }
0x34: {  	v36 =	vld.idx.msk [tilespmem:v31+s2+$0x0], $0xffff  }
0x35: {  	v12 =	vld.idx.msk [tilespmem:v31+s13+$0x0], $0xffff;
	v3 =	vadd.f32 $9.999999710e-10, v3;
	v35 =	vadd.f32 $-5.178229550e-05, v11;
	_ =	sdelay $0x1  }
0x36: {  	v10 =	vld.idx.msk [tilespmem:v31+s14+$0x0], $0xffff;
	v20 =	vmul.f32 $3.999999910e-02, v3;
	v6 =	vmul.f32 v35, v19;
	_ =	sdelay $0x1  }
0x37: {  	v17 =	vsub.f32 v36, v0;
	v21 =	vmin.f32 v20, $1.000000000e+00;
	v37 =	vadd.f32 $9.642455260e-04, v6  }
0x38: {  	v41 =	vld.idx.msk [tilespmem:v14+s2+$0x0], $0xffff;
	v13 =	vmul.f32 $1.859712480e-06, v21;
	v6 =	vsub.f32 v12, v1  }
0x39: {  	v39 =	vmul.f32 v17, v17;
	v3 =	vmul.f32 v37, v19  }
0x3a: {  	v23 =	vld.idx.msk [tilespmem:v14+s13+$0x0], $0xffff;
	v38 =	vadd.f32 $-5.178229550e-05, v13;
	v13 =	vsub.f32 v10, v2;
	v12 =	vmul.f32 v6, v6  }
0x3b: {  	v3 =	vadd.f32 $-1.290312320e-02, v3  }
0x3c: {  	v22 =	vld [tilespmem:s24+$0x7A00];
	v11 =	vmul.f32 v38, v21;
	v10 =	vadd.f32 v12, v39;
	v40 =	vmul.f32 v13, v13  }
0x3d: {  	v24 =	vld.idx.msk [tilespmem:v14+s14+$0x0], $0xffff;
	v15 =	vsub.f32 v41, v0;
	v3 =	vmul.f32 v3, v19  }
0x3e: {  	v11 =	vadd.f32 $9.642455260e-04, v11;
	v10 =	vadd.f32 v40, v10  }
0x3f: {  	v14 =	vsub.f32 v23, v1;
	v3 =	vadd.f32 $1.176652010e-01, v3  }
0x40: {  	v45 =	vmul.f32 v15, v15;
	v11 =	vmul.f32 v11, v21;
	v10 =	vadd.f32 $9.999999710e-10, v10  }
0x41: {  	v27 =	vmul.f32 v14, v14;
	v3 =	vmul.f32 v3, v19  }
0x42: {  	v11 =	vadd.f32 $-1.290312320e-02, v11;
	v25 =	vmul.f32 $3.999999910e-02, v10;
	v10 =	vsub.f32 v24, v2  }
0x43: {  	v24 =	vadd.f32 v27, v45;
	v3 =	vadd.f32 $-6.676313880e-01, v3  }
0x44: {  	v44 =	vld.idx.msk [tilespmem:v22+s2+$0x0], $0xffff;
	v42 =	vmul.f32 v11, v21;
	v26 =	vmin.f32 v25, $1.000000000e+00;
	v46 =	vmul.f32 v10, v10  }
0x45: {  	v28 =	vld.idx.msk [tilespmem:v22+s13+$0x0], $0xffff;
	v43 =	vmul.f32 $1.859712480e-06, v26;
	v3 =	vmul.f32 v3, v19  }
0x46: {  	v11 =	vadd.f32 $1.176652010e-01, v42;
	v24 =	vadd.f32 v46, v24  }
0x47: {  	v22 =	vld.idx.msk [tilespmem:v22+s14+$0x0], $0xffff;
	v12 =	vadd.f32 $-5.178229550e-05, v43;
	v3 =	vadd.f32 $2.029356000e+00, v3  }
0x48: {  	v52 =	vld [tilespmem:s24+$0x7A80];
	vm0 =	vlt.f32 v18, $1.000000000e+00;
	v11 =	vmul.f32 v11, v21;
	v24 =	vadd.f32 $9.999999710e-10, v24  }
0x49: {  	v30 =	vmul.f32 v12, v26;
	v12 =	vsub.f32 v44, v0;
	v3 =	vmul.f32 v3, v19  }
0x4a: {  	v47 =	vadd.f32 $-6.676313880e-01, v11;
	v11 =	vsub.f32 v28, v1;
	v24 =	vmul.f32 $3.999999910e-02, v24  }
0x4b: {  	v49 =	vadd.f32 $9.642455260e-04, v30;
	v50 =	vmul.f32 v12, v12;
	v29 =	vadd.f32 $-2.467401030e+00, v3  }
0x4c: {  	v48 =	vmul.f32 v47, v21;
	v3 =	vsub.f32 v22, v2;
	v28 =	vmul.f32 v11, v11  }
0x4d: {  	vm13 =	vlt.f32 v20, $1.000000000e+00;
	v27 =	vmul.f32 v49, v26;
	v19 =	vmul.f32 v29, v19  }
0x4e: {  	v23 =	vadd.f32 $2.029356000e+00, v48;
	v22 =	vadd.f32 v28, v50;
	v51 =	vmul.f32 v3, v3  }
0x4f: {  	vm14 =	vlt.f32 v25, $1.000000000e+00;
	v53 =	vadd.f32 $-1.290312320e-02, v27;
	v27 =	vmin.f32 v24, $1.000000000e+00  }
0x50: {  	v58 =	vld.idx.msk [tilespmem:v52+s2+$0x0], $0xffff;
	v19 =	vadd.f32 $1.000000000e+00, v19;
	v23 =	vmul.f32 v23, v21;
	v22 =	vadd.f32 v51, v22  }
0x51: {  	vm15 =	vlt.f32 v24, $1.000000000e+00;
	v54 =	vmul.f32 $1.859712480e-06, v27;
	v18 =	vmul.f32 v53, v26  }
0x52: {  	v19 =	vnsel vm0, $0x0, v19;
	v23 =	vadd.f32 $-2.467401030e+00, v23;
	v22 =	vadd.f32 $9.999999710e-10, v22  }
0x53: {  	v31 =	vld.idx.msk [tilespmem:v52+s13+$0x0], $0xffff;
	v28 =	vadd.f32 $-5.178229550e-05, v54;
	v4 =	vmul.f32 v19, v4;
	v5 =	vmul.f32 v19, v5  }
0x54: {  	v18 =	vadd.f32 $1.176652010e-01, v18;
	v60 =	vmul.f32 v19, v8;
	v22 =	vmul.f32 $3.999999910e-02, v22  }
0x55: {  	v36 =	vld [tilespmem:s24+$0x7B00];
	v8 =	vsub.f32 v58, v0;
	v21 =	vmul.f32 v23, v21;
	v57 =	vmul.f32 v28, v27  }
0x56: {  	v55 =	vadd.f32 $0.0e+00, v4;
	v56 =	vmul.f32 v18, v26;
	v20 =	vmin.f32 v22, $1.000000000e+00  }
0x57: {  	v32 =	vadd.f32 $0.0e+00, v5;
	v18 =	vadd.f32 $9.642455260e-04, v57;
	v59 =	vmul.f32 $1.859712480e-06, v20  }
0x58: {  	v5 =	vsub.f32 v31, v1;
	v38 =	vmul.f32 v8, v8;
	v4 =	vadd.f32 $-6.676313880e-01, v56  }
0x59: {  	v29 =	vld.idx.msk [tilespmem:v52+s14+$0x0], $0xffff;
	v21 =	vadd.f32 $1.000000000e+00, v21;
	v61 =	vmul.f32 v18, v27;
	v62 =	vadd.f32 $-5.178229550e-05, v59  }
0x5a: {  	v63 =	vadd.f32 $0.0e+00, v60;
	v34 =	vmul.f32 v5, v5;
	v4 =	vmul.f32 v4, v26  }
0x5b: {  	v21 =	vnsel vm13, $0x0, v21;
	v33 =	vadd.f32 $-1.290312320e-02, v61;
	v18 =	vmul.f32 v62, v20  }
0x5c: {  	v19 =	vadd.f32 v21, v19;
	v16 =	vmul.f32 v21, v16;
	v4 =	vadd.f32 $2.029356000e+00, v4  }
0x5d: {  	v44 =	vld.idx.msk [tilespmem:v36+s2+$0x0], $0xffff;
	v9 =	vmul.f32 v21, v9;
	v33 =	vmul.f32 v33, v27;
	v18 =	vadd.f32 $9.642455260e-04, v18  }
0x5e: {  	v46 =	vld.idx.msk [tilespmem:v36+s13+$0x0], $0xffff;
	v7 =	vmul.f32 v21, v7;
	v37 =	vmul.f32 v4, v26;
	v4 =	vsub.f32 v29, v2  }
0x5f: {  	v47 =	vadd.f32 v9, v32;
	v33 =	vadd.f32 $1.176652010e-01, v33;
	v18 =	vmul.f32 v18, v20  }
0x60: {  	v29 =	vadd.f32 v34, v38;
	v31 =	vadd.f32 $-2.467401030e+00, v37;
	v39 =	vmul.f32 v4, v4  }
0x61: {  	v52 =	vld [tilespmem:s24+$0x7B80];
	v49 =	vadd.f32 v7, v63;
	v40 =	vmul.f32 v33, v27;
	v18 =	vadd.f32 $-1.290312320e-02, v18  }
0x62: {  	v9 =	vsub.f32 v44, v0;
	v26 =	vmul.f32 v31, v26;
	v41 =	vadd.f32 v39, v29  }
0x63: {  	v7 =	vsub.f32 v46, v1;
	v42 =	vadd.f32 $-6.676313880e-01, v40;
	v18 =	vmul.f32 v18, v20  }
0x64: {  	v58 =	vmul.f32 v9, v9;
	v26 =	vadd.f32 $1.000000000e+00, v26;
	v43 =	vadd.f32 $9.999999710e-10, v41  }
0x65: {  	v51 =	vld.idx.msk [tilespmem:v36+s14+$0x0], $0xffff;
	v59 =	vmul.f32 v7, v7;
	v45 =	vmul.f32 v42, v27;
	v18 =	vadd.f32 $1.176652010e-01, v18  }
0x66: {  	v16 =	vadd.f32 v16, v55;
	v25 =	vnsel vm14, $0x0, v26;
	v21 =	vmul.f32 $3.999999910e-02, v43  }
0x67: {  	v26 =	vadd.f32 v59, v58;
	v50 =	vadd.f32 $2.029356000e+00, v45;
	v18 =	vmul.f32 v18, v20  }
0x68: {  	v63 =	vld [tilespmem:s24+$0x8400];
	v48 =	vmul.f32 v25, v17;
	v19 =	vadd.f32 v25, v19;
	v28 =	vmin.f32 v21, $1.000000000e+00  }
0x69: {  	v37 =	vld.idx.msk [tilespmem:v52+s13+$0x0], $0xffff;
	v53 =	vmul.f32 v50, v27;
	v54 =	vmul.f32 $1.859712480e-06, v28;
	v18 =	vadd.f32 $-6.676313880e-01, v18  }
0x6a: {  	v55 =	vmul.f32 v25, v6;
	v6 =	vsub.f32 v51, v2;
	v13 =	vmul.f32 v25, v13  }
0x6b: {  	v56 =	vadd.f32 $-2.467401030e+00, v53;
	v57 =	vadd.f32 $-5.178229550e-05, v54;
	v18 =	vmul.f32 v18, v20  }
0x6c: {  	v16 =	vadd.f32 v48, v16;
	v62 =	vmul.f32 v6, v6;
	v17 =	vadd.f32 v13, v49  }
0x6d: {  	v23 =	vmul.f32 v56, v27;
	v60 =	vmul.f32 v57, v28;
	v18 =	vadd.f32 $2.029356000e+00, v18  }
0x6e: {  	v35 =	vld.idx.msk [tilespmem:v52+s2+$0x0], $0xffff;
	vm4 =	vlt.f32 v22, $1.000000000e+00;
	v13 =	vsub.f32 v37, v1;
	v34 =	vadd.f32 v62, v26  }
0x6f: {  	v46 =	vld [tilespmem:s24+$0x8480];
	v23 =	vadd.f32 $1.000000000e+00, v23;
	v27 =	vadd.f32 $9.642455260e-04, v60;
	v18 =	vmul.f32 v18, v20  }
0x70: {  	v41 =	vld.idx.msk [tilespmem:v52+s14+$0x0], $0xffff;
	v61 =	vadd.f32 v55, v47;
	v51 =	vmul.f32 v13, v13;
	v39 =	vadd.f32 $9.999999710e-10, v34  }
0x71: {  	v49 =	vld.idx.msk [tilespmem:v63+s2+$0x0], $0xffff;
	v23 =	vnsel vm15, $0x0, v23;
	v36 =	vmul.f32 v27, v28;
	v18 =	vadd.f32 $-2.467401030e+00, v18  }
0x72: {  	v38 =	vmul.f32 v23, v15;
	v14 =	vmul.f32 v23, v14;
	v42 =	vadd.f32 v23, v19  }
0x73: {  	v19 =	vmul.f32 $3.999999910e-02, v39;
	v10 =	vmul.f32 v23, v10;
	v40 =	vadd.f32 $-1.290312320e-02, v36  }
0x74: {  	v18 =	vmul.f32 v18, v20;
	v43 =	vadd.f32 v38, v16;
	v44 =	vadd.f32 v14, v61  }
0x75: {  	v52 =	vld.idx.msk [tilespmem:v63+s13+$0x0], $0xffff;
	v20 =	vmin.f32 v19, $1.000000000e+00;
	v16 =	vsub.f32 v35, v0;
	v14 =	vsub.f32 v41, v2  }
0x76: {  	v57 =	vld.idx.msk [tilespmem:v63+s14+$0x0], $0xffff;
	v58 =	vadd.f32 v10, v17;
	v17 =	vsub.f32 v49, v0;
	v45 =	vmul.f32 v40, v28  }
0x77: {  	v61 =	vld.idx.msk [tilespmem:v46+s2+$0x0], $0xffff;
	v48 =	vmul.f32 $1.859712480e-06, v20;
	v18 =	vadd.f32 $1.000000000e+00, v18;
	v50 =	vmul.f32 v16, v16  }
0x78: {  	v56 =	vmul.f32 v14, v14;
	v62 =	vmul.f32 v17, v17;
	v47 =	vadd.f32 $1.176652010e-01, v45  }
0x79: {  	v55 =	vadd.f32 $-5.178229550e-05, v48;
	v53 =	vnsel vm4, $0x0, v18;
	v24 =	vadd.f32 v51, v50  }
0x7a: {  	v18 =	vsub.f32 v52, v1;
	v54 =	vmul.f32 v47, v28;
	v26 =	vadd.f32 v53, v42  }
0x7b: {  	v63 =	vld.idx.msk [tilespmem:v46+s13+$0x0], $0xffff;
	v22 =	vmul.f32 v55, v20;
	v60 =	vmul.f32 v53, v12;
	v12 =	vsub.f32 v57, v2  }
0x7c: {  	v11 =	vmul.f32 v53, v11;
	v15 =	vsub.f32 v61, v0;
	v24 =	vadd.f32 v56, v24  }
0x7d: {  	v33 =	vmul.f32 v18, v18;
	v59 =	vadd.f32 $-6.676313880e-01, v54;
	v22 =	vadd.f32 $9.642455260e-04, v22  }
0x7e: {  	v27 =	vadd.f32 v60, v43;
	v41 =	vmul.f32 v12, v12;
	v24 =	vadd.f32 $9.999999710e-10, v24  }
0x7f: {  	v25 =	vld.idx.msk [tilespmem:v46+s14+$0x0], $0xffff;
	v42 =	vadd.f32 v11, v44;
	v40 =	vadd.f32 v33, v62;
	v10 =	vmul.f32 v59, v28  }
0x80: {  	v11 =	vsub.f32 v63, v1;
	v22 =	vmul.f32 v22, v20;
	v24 =	vmul.f32 $3.999999910e-02, v24  }
0x81: {  	v45 =	vmul.f32 v15, v15;
	v30 =	vadd.f32 v41, v40;
	v10 =	vadd.f32 $2.029356000e+00, v10  }
0x82: {  	v34 =	vmul.f32 v11, v11;
	v22 =	vadd.f32 $-1.290312320e-02, v22;
	v35 =	vmin.f32 v24, $1.000000000e+00  }
0x83: {  	v30 =	vadd.f32 $9.999999710e-10, v30;
	v36 =	vmul.f32 $1.859712480e-06, v35;
	v43 =	vmul.f32 v10, v28  }
0x84: {  	v10 =	vsub.f32 v25, v2;
	v22 =	vmul.f32 v22, v20;
	v25 =	vadd.f32 v34, v45  }
0x85: {  	v3 =	vmul.f32 v53, v3;
	v44 =	vadd.f32 $-5.178229550e-05, v36;
	v29 =	vadd.f32 $-2.467401030e+00, v43  }
0x86: {  	v50 =	vld [tilespmem:s24+$0x8500];
	v30 =	vmul.f32 $3.999999910e-02, v30;
	v46 =	vmul.f32 v10, v10;
	v22 =	vadd.f32 $1.176652010e-01, v22  }
0x87: {  	vm5 =	vlt.f32 v21, $1.000000000e+00;
	v31 =	vmul.f32 v44, v35;
	v47 =	vmul.f32 v29, v28  }
0x88: {  	v49 =	vmin.f32 v30, $1.000000000e+00;
	v25 =	vadd.f32 v46, v25;
	v22 =	vmul.f32 v22, v20  }
0x89: {  	v51 =	vmul.f32 $1.859712480e-06, v49;
	v48 =	vadd.f32 $9.642455260e-04, v31;
	v23 =	vadd.f32 $1.000000000e+00, v47  }
0x8a: {  	vm6 =	vlt.f32 v19, $1.000000000e+00;
	v25 =	vadd.f32 $9.999999710e-10, v25;
	v22 =	vadd.f32 $-6.676313880e-01, v22  }
0x8b: {  	v3 =	vadd.f32 v3, v58;
	v53 =	vadd.f32 $-5.178229550e-05, v51;
	v28 =	vmul.f32 v48, v35  }
0x8c: {  	v23 =	vnsel vm5, $0x0, v23;
	v25 =	vmul.f32 $3.999999910e-02, v25;
	v22 =	vmul.f32 v22, v20  }
0x8d: {  	v26 =	vadd.f32 v23, v26;
	v8 =	vmul.f32 v23, v8;
	v52 =	vadd.f32 $-1.290312320e-02, v28  }
0x8e: {  	v55 =	vld.idx.msk [tilespmem:v50+s2+$0x0], $0xffff;
	v5 =	vmul.f32 v23, v5;
	v28 =	vmul.f32 v53, v49;
	v32 =	vmin.f32 v25, $1.000000000e+00  }
0x8f: {  	v56 =	vld.idx.msk [tilespmem:v50+s13+$0x0], $0xffff;
	v22 =	vadd.f32 $2.029356000e+00, v22;
	v54 =	vmul.f32 $1.859712480e-06, v32;
	v21 =	vmul.f32 v52, v35  }
0x90: {  	v4 =	vmul.f32 v23, v4;
	v8 =	vadd.f32 v8, v27;
	v28 =	vadd.f32 $9.642455260e-04, v28  }
0x91: {  	vm7 =	vlt.f32 v24, $1.000000000e+00;
	v34 =	vadd.f32 $-5.178229550e-05, v54;
	v21 =	vadd.f32 $1.176652010e-01, v21  }
0x92: {  	v60 =	vld.idx.msk [tilespmem:v50+s14+$0x0], $0xffff;
	v33 =	vadd.f32 v5, v42;
	v61 =	vadd.f32 v4, v3;
	v28 =	vmul.f32 v28, v49  }
0x93: {  	v5 =	vsub.f32 v55, v0;
	v59 =	vmul.f32 v34, v32;
	v21 =	vmul.f32 v21, v35  }
0x94: {  	v4 =	vsub.f32 v56, v1;
	v57 =	vmul.f32 v22, v20;
	v58 =	vadd.f32 $-1.290312320e-02, v28  }
0x95: {  	v27 =	vmul.f32 v5, v5;
	v23 =	vadd.f32 $9.642455260e-04, v59;
	v21 =	vadd.f32 $-6.676313880e-01, v21  }
0x96: {  	v63 =	vmul.f32 v4, v4;
	v62 =	vadd.f32 $-2.467401030e+00, v57;
	v22 =	vmul.f32 v58, v49  }
0x97: {  	v3 =	vsub.f32 v60, v2;
	v23 =	vmul.f32 v23, v32;
	v21 =	vmul.f32 v21, v35  }
0x98: {  	v27 =	vadd.f32 v63, v27;
	v20 =	vmul.f32 v62, v20;
	v22 =	vadd.f32 $1.176652010e-01, v22  }
0x99: {  	vm8 =	vlt.f32 v30, $1.000000000e+00;
	v52 =	vld [tilespmem:s24+$0x8680];
	v23 =	vadd.f32 $-1.290312320e-02, v23;
	v21 =	vadd.f32 $2.029356000e+00, v21  }
0x9a: {  	v34 =	vmul.f32 v3, v3;
	v20 =	vadd.f32 $1.000000000e+00, v20;
	v22 =	vmul.f32 v22, v49  }
0x9b: {  	v40 =	vld [tilespmem:s24+$0x8580];
	vm9 =	vlt.f32 v25, $1.000000000e+00;
	v37 =	vmul.f32 v23, v32;
	v21 =	vmul.f32 v21, v35  }
0x9c: {  	v38 =	vadd.f32 v34, v27;
	v20 =	vnsel vm6, $0x0, v20;
	v36 =	vadd.f32 $-6.676313880e-01, v22  }
0x9d: {  	v9 =	vmul.f32 v20, v9;
	v22 =	vadd.f32 $1.176652010e-01, v37;
	v21 =	vadd.f32 $-2.467401030e+00, v21  }
0x9e: {  	v26 =	vadd.f32 v20, v26;
	v7 =	vmul.f32 v20, v7;
	v19 =	vmul.f32 v36, v49  }
0x9f: {  	v23 =	vadd.f32 $9.999999710e-10, v38;
	v22 =	vmul.f32 v22, v32;
	v21 =	vmul.f32 v21, v35  }
0xa0: {  	v6 =	vmul.f32 v20, v6;
	v8 =	vadd.f32 v9, v8;
	v39 =	vadd.f32 $2.029356000e+00, v19  }
0xa1: {  	v37 =	vld.idx.msk [tilespmem:v52+s2+$0x0], $0xffff;
	v19 =	vmul.f32 $3.999999910e-02, v23;
	v22 =	vadd.f32 $-6.676313880e-01, v22;
	v21 =	vadd.f32 $1.000000000e+00, v21  }
0xa2: {  	v43 =	vld [tilespmem:s24+$0x8600];
	v7 =	vadd.f32 v7, v33;
	v6 =	vadd.f32 v6, v61;
	v9 =	vmul.f32 v39, v49  }
0xa3: {  	v46 =	vld.idx.msk [tilespmem:v40+s2+$0x0], $0xffff;
	v22 =	vmul.f32 v22, v32;
	v41 =	vnsel vm7, $0x0, v21;
	v21 =	vmin.f32 v19, $1.000000000e+00  }
0xa4: {  	vm10 =	vlt.f32 v19, $1.000000000e+00;
	v9 =	vadd.f32 $-2.467401030e+00, v9;
	v42 =	vmul.f32 $1.859712480e-06, v21  }
0xa5: {  	v22 =	vadd.f32 $2.029356000e+00, v22;
	v26 =	vadd.f32 v41, v26;
	v13 =	vmul.f32 v41, v13  }
0xa6: {  	v57 =	vld.idx.msk [tilespmem:v40+s14+$0x0], $0xffff;
	v47 =	vmul.f32 v41, v14;
	v14 =	vsub.f32 v37, v0;
	v9 =	vmul.f32 v9, v49  }
0xa7: {  	v16 =	vmul.f32 v41, v16;
	v23 =	vadd.f32 $-5.178229550e-05, v42;
	v7 =	vadd.f32 v13, v7  }
0xa8: {  	v44 =	vmul.f32 v22, v32;
	v13 =	vsub.f32 v46, v0;
	v9 =	vadd.f32 $1.000000000e+00, v9  }
0xa9: {  	v48 =	vld.idx.msk [tilespmem:v40+s13+$0x0], $0xffff;
	v8 =	vadd.f32 v16, v8;
	v53 =	vadd.f32 v47, v6;
	v45 =	vmul.f32 v23, v21  }
0xaa: {  	v61 =	vld.idx.msk [tilespmem:v43+s2+$0x0], $0xffff;
	v50 =	vadd.f32 $-2.467401030e+00, v44;
	v33 =	vmul.f32 v13, v13;
	v49 =	vnsel vm8, $0x0, v9  }
0xab: {  	v35 =	vld.idx.msk [tilespmem:v43+s14+$0x0], $0xffff;
	v6 =	vsub.f32 v57, v2;
	v54 =	vmul.f32 v49, v17;
	v55 =	vmul.f32 v49, v18  }
0xac: {  	v62 =	vld.idx.msk [tilespmem:v43+s13+$0x0], $0xffff;
	v51 =	vadd.f32 $9.642455260e-04, v45;
	v56 =	vadd.f32 v49, v26;
	v9 =	vmul.f32 v50, v32  }
0xad: {  	v41 =	vld [tilespmem:s24+$0x8700];
	v12 =	vmul.f32 v49, v12;
	v58 =	vadd.f32 v54, v8;
	v27 =	vadd.f32 v55, v7  }
0xae: {  	v40 =	vld.idx.msk [tilespmem:v52+s13+$0x0], $0xffff;
	v16 =	vmul.f32 v51, v21;
	v59 =	vadd.f32 $1.000000000e+00, v9;
	v9 =	vsub.f32 v48, v1  }
0xaf: {  	v22 =	vld.idx.msk [tilespmem:v52+s14+$0x0], $0xffff;
	v39 =	vmul.f32 v6, v6;
	v36 =	vadd.f32 v12, v53;
	v12 =	vsub.f32 v61, v0  }
0xb0: {  	v8 =	vsub.f32 v35, v2;
	v48 =	vld [tilespmem:s24+$0x8780];
	v54 =	vmul.f32 v14, v14;
	v60 =	vadd.f32 $-1.290312320e-02, v16  }
0xb1: {  	v63 =	vnsel vm9, $0x0, v59;
	v34 =	vmul.f32 v9, v9;
	v44 =	vmul.f32 v12, v12  }
0xb2: {  	v25 =	vadd.f32 v63, v56;
	v42 =	vmul.f32 v63, v15;
	v7 =	vmul.f32 v60, v21  }
0xb3: {  	v16 =	vmul.f32 v63, v10;
	v10 =	vsub.f32 v40, v1;
	v18 =	vadd.f32 v34, v33  }
0xb4: {  	v46 =	vmul.f32 v63, v11;
	v11 =	vsub.f32 v22, v2;
	v38 =	vadd.f32 $1.176652010e-01, v7  }
0xb5: {  	v56 =	vld.idx.msk [tilespmem:v41+s2+$0x0], $0xffff;
	v55 =	vmul.f32 v10, v10;
	v7 =	vsub.f32 v62, v1;
	v18 =	vadd.f32 v39, v18  }
0xb6: {  	v26 =	vadd.f32 v42, v58;
	v58 =	vmul.f32 v11, v11;
	v43 =	vmul.f32 v38, v21  }
0xb7: {  	v45 =	vmul.f32 v7, v7;
	v49 =	vadd.f32 $9.999999710e-10, v18;
	v18 =	vadd.f32 v55, v54  }
0xb8: {  	v51 =	vmul.f32 v8, v8;
	v27 =	vadd.f32 v46, v27;
	v61 =	vld.idx.msk [tilespmem:v48+s2+$0x0], $0xffff;
	v47 =	vadd.f32 $-6.676313880e-01, v43  }
0xb9: {  	v63 =	vld.idx.msk [tilespmem:v48+s13+$0x0], $0xffff;
	v50 =	vadd.f32 v45, v44;
	v23 =	vmul.f32 $3.999999910e-02, v49;
	v18 =	vadd.f32 v58, v18  }
0xba: {  	v59 =	vld.idx.msk [tilespmem:v41+s13+$0x0], $0xffff;
	v24 =	vadd.f32 v16, v36;
	v16 =	vsub.f32 v56, v0;
	v52 =	vmul.f32 v47, v21  }
0xbb: {  	v40 =	vld.idx.msk [tilespmem:v48+s14+$0x0], $0xffff;
	v53 =	vadd.f32 v51, v50;
	v22 =	vmin.f32 v23, $1.000000000e+00;
	v18 =	vadd.f32 $9.999999710e-10, v18  }
0xbc: {  	v30 =	vld.idx.msk [tilespmem:v41+s14+$0x0], $0xffff;
	v43 =	vmul.f32 v16, v16;
	v57 =	vmul.f32 $1.859712480e-06, v22;
	v17 =	vadd.f32 $2.029356000e+00, v52  }
0xbd: {  	v15 =	vadd.f32 $9.999999710e-10, v53;
	v35 =	vmul.f32 $3.999999910e-02, v18;
	v18 =	vsub.f32 v61, v0  }
0xbe: {  	v0 =	vsub.f32 v63, v1;
	v60 =	vadd.f32 $-5.178229550e-05, v57;
	v17 =	vmul.f32 v17, v21  }
0xbf: {  	v28 =	vmul.f32 $3.999999910e-02, v15;
	v15 =	vsub.f32 v59, v1;
	v20 =	vmin.f32 v35, $1.000000000e+00  }
0xc0: {  	v1 =	vsub.f32 v40, v2;
	v46 =	vmul.f32 v18, v18;
	v38 =	vmul.f32 v60, v22  }
0xc1: {  	v62 =	vadd.f32 $-2.467401030e+00, v17;
	v17 =	vsub.f32 v30, v2;
	v44 =	vmul.f32 v15, v15  }
0xc2: {  	v47 =	vmul.f32 v0, v0;
	v48 =	vmul.f32 $1.859712480e-06, v20;
	v32 =	vmin.f32 v28, $1.000000000e+00  }
0xc3: {  	v41 =	vadd.f32 $9.642455260e-04, v38;
	v30 =	vadd.f32 v44, v43;
	v45 =	vmul.f32 v17, v17  }
0xc4: {  	v2 =	vadd.f32 v47, v46;
	v49 =	vmul.f32 v1, v1;
	v39 =	vmul.f32 $1.859712480e-06, v32  }
0xc5: {  	v50 =	vadd.f32 $-5.178229550e-05, v48;
	v31 =	vmul.f32 v41, v22;
	v30 =	vadd.f32 v45, v30  }
0xc6: {  	v21 =	vmul.f32 v62, v21;
	v2 =	vadd.f32 v49, v2;
	v42 =	vadd.f32 $-5.178229550e-05, v39  }
0xc7: {  	vm11 =	vlt.f32 v23, $1.000000000e+00;
	v31 =	vadd.f32 $-1.290312320e-02, v31;
	v30 =	vadd.f32 $9.999999710e-10, v30  }
0xc8: {  	v53 =	vmul.f32 v50, v20;
	v21 =	vadd.f32 $1.000000000e+00, v21;
	v33 =	vmul.f32 v42, v32  }
0xc9: {  	v2 =	vadd.f32 $9.999999710e-10, v2;
	v31 =	vmul.f32 v31, v22;
	v30 =	vmul.f32 $3.999999910e-02, v30  }
0xca: {  	vm13 =	vlt.f32 v35, $1.000000000e+00;
	v56 =	vadd.f32 $9.642455260e-04, v53;
	v33 =	vadd.f32 $9.642455260e-04, v33  }
0xcb: {  	v2 =	vmul.f32 $3.999999910e-02, v2;
	v51 =	vadd.f32 $1.176652010e-01, v31;
	v57 =	vmin.f32 v30, $1.000000000e+00  }
0xcc: {  	v21 =	vnsel vm10, $0x0, v21;
	v52 =	vmul.f32 v33, v32;
	v58 =	vmul.f32 $1.859712480e-06, v57  }
0xcd: {  	v59 =	vmin.f32 v2, $1.000000000e+00;
	v31 =	vmul.f32 v56, v20;
	v54 =	vmul.f32 v51, v22  }
0xce: {  	v37 =	vmul.f32 $1.859712480e-06, v59;
	v55 =	vadd.f32 $-1.290312320e-02, v52;
	v34 =	vadd.f32 $-5.178229550e-05, v58  }
0xcf: {  	v5 =	vmul.f32 v21, v5;
	v31 =	vadd.f32 $-1.290312320e-02, v31;
	v19 =	vadd.f32 $-6.676313880e-01, v54  }
0xd0: {  	v61 =	vadd.f32 $-5.178229550e-05, v37;
	v29 =	vmul.f32 v55, v32;
	v60 =	vmul.f32 v34, v57  }
0xd1: {  	v5 =	vadd.f32 v5, v26;
	v31 =	vmul.f32 v31, v20;
	v19 =	vmul.f32 v19, v22  }
0xd2: {  	v29 =	vadd.f32 $1.176652010e-01, v29;
	v34 =	vmul.f32 v61, v59;
	v26 =	vadd.f32 $9.642455260e-04, v60  }
0xd3: {  	v4 =	vmul.f32 v21, v4;
	v31 =	vadd.f32 $1.176652010e-01, v31;
	v19 =	vadd.f32 $2.029356000e+00, v19  }
0xd4: {  	v29 =	vmul.f32 v29, v32;
	v62 =	vadd.f32 $9.642455260e-04, v34;
	v26 =	vmul.f32 v26, v57  }
0xd5: {  	v4 =	vadd.f32 v4, v27;
	v31 =	vmul.f32 v31, v20;
	v19 =	vmul.f32 v19, v22  }
0xd6: {  	v29 =	vadd.f32 $-6.676313880e-01, v29;
	v27 =	vmul.f32 v62, v59;
	v26 =	vadd.f32 $-1.290312320e-02, v26  }
0xd7: {  	v3 =	vmul.f32 v21, v3;
	v34 =	vadd.f32 $-6.676313880e-01, v31;
	v19 =	vadd.f32 $-2.467401030e+00, v19  }
0xd8: {  	v29 =	vmul.f32 v29, v32;
	v38 =	vadd.f32 $-1.290312320e-02, v27;
	v37 =	vmul.f32 v26, v57  }
0xd9: {  	v25 =	vadd.f32 v21, v25;
	v39 =	vmul.f32 v34, v20;
	v19 =	vmul.f32 v19, v22  }
0xda: {  	v63 =	vadd.f32 $2.029356000e+00, v29;
	v40 =	vmul.f32 v38, v59;
	v21 =	vadd.f32 $1.176652010e-01, v37  }
0xdb: {  	vm12 =	vlt.f32 v28, $1.000000000e+00;
	v41 =	vadd.f32 $2.029356000e+00, v39;
	v19 =	vadd.f32 $1.000000000e+00, v19  }
0xdc: {  	v3 =	vadd.f32 v3, v24;
	v23 =	vadd.f32 $1.176652010e-01, v40;
	v21 =	vmul.f32 v21, v57  }
0xdd: {  	v22 =	vmul.f32 v63, v32;
	v42 =	vmul.f32 v41, v20;
	v19 =	vnsel vm11, $0x0, v19  }
0xde: {  	v44 =	vmul.f32 v23, v59;
	v13 =	vmul.f32 v19, v13;
	v43 =	vadd.f32 $-6.676313880e-01, v21  }
0xdf: {  	vm15 =	vlt.f32 v2, $1.000000000e+00;
	v22 =	vadd.f32 $-2.467401030e+00, v22;
	v45 =	vadd.f32 $-2.467401030e+00, v42  }
0xe0: {  	v21 =	vadd.f32 $-6.676313880e-01, v44;
	v5 =	vadd.f32 v13, v5;
	v13 =	vmul.f32 v43, v57  }
0xe1: {  	vm14 =	vlt.f32 v30, $1.000000000e+00;
	v9 =	vmul.f32 v19, v9;
	v22 =	vmul.f32 v22, v32  }
0xe2: {  	v46 =	vmul.f32 v45, v20;
	v21 =	vmul.f32 v21, v59;
	v13 =	vadd.f32 $2.029356000e+00, v13  }
0xe3: {  	v6 =	vmul.f32 v19, v6;
	v4 =	vadd.f32 v9, v4;
	v22 =	vadd.f32 $1.000000000e+00, v22  }
0xe4: {  	v9 =	vadd.f32 $1.000000000e+00, v46;
	v49 =	vadd.f32 $2.029356000e+00, v21;
	v13 =	vmul.f32 v13, v57  }
0xe5: {  	v48 =	vadd.f32 v19, v25;
	v3 =	vadd.f32 v6, v3;
	v47 =	vnsel vm12, $0x0, v22  }
0xe6: {  	v50 =	vnsel vm13, $0x0, v9;
	v52 =	vmul.f32 v49, v59;
	v51 =	vadd.f32 $-2.467401030e+00, v13  }
0xe7: {  	v12 =	vmul.f32 v47, v12;
	v7 =	vmul.f32 v47, v7;
	v53 =	vadd.f32 v47, v48  }
0xe8: {  	v8 =	vmul.f32 v47, v8;
	v55 =	vadd.f32 $-2.467401030e+00, v52;
	v54 =	vmul.f32 v51, v57  }
0xe9: {  	v14 =	vmul.f32 v50, v14;
	v6 =	vmul.f32 v50, v11;
	v5 =	vadd.f32 v12, v5  }
0xea: {  	v4 =	vadd.f32 v7, v4;
	v56 =	vmul.f32 v55, v59;
	v7 =	vadd.f32 $1.000000000e+00, v54  }
0xeb: {  	v3 =	vadd.f32 v8, v3;
	v58 =	vadd.f32 v50, v53;
	v57 =	vmul.f32 v50, v10  }
0xec: {  	v5 =	vadd.f32 v14, v5;
	v8 =	vadd.f32 $1.000000000e+00, v56;
	v7 =	vnsel vm14, $0x0, v7  }
0xed: {  	v3 =	vadd.f32 v6, v3;
	v4 =	vadd.f32 v57, v4;
	v59 =	vmul.f32 v7, v16  }
0xee: {  	v8 =	vnsel vm15, $0x0, v8;
	v60 =	vadd.f32 v7, v58;
	v61 =	vmul.f32 v7, v15  }
0xef: {  	s31 =	sshll.u32 s22, $0x6;
	v62 =	vmul.f32 v7, v17;
	v63 =	vmul.f32 v8, v18;
	v5 =	vadd.f32 v59, v5  }
0xf0: {  	p0 =	sne.s32 s22, $0x13;
	s24 =	sand.u32 $0x3FFFFE00, s31;
	v0 =	vmul.f32 v8, v0;
	v4 =	vadd.f32 v61, v4;
	v2 =	vadd.f32 v8, v60  }
.Ltmp0:
0xf1: {  	s23 =	sor.u32 s23, s24;
	v1 =	vmul.f32 v8, v1;
	v3 =	vadd.f32 v62, v3;
	v5 =	vadd.f32 v63, v5;
	(pc) =	sbr.rel @p0 .LBB2_2-.Ltmp0, $4  }
0xf2: {  	v0 =	vadd.f32 v0, v4;
	[tilespmem:s23+$0x9000] =	vst v2  }
0xf3: {  	v1 =	vadd.f32 v1, v3;
	[tilespmem:s23+$0x9080] =	vst v5  }
0xf4: {  	s21 =	sadd.s32 $0x10, s21;
	s20 =	sadd.s32 $0x10, s20;
	[tilespmem:s23+$0x9100] =	vst v0  }
0xf5: {  	s19 =	sadd.s32 $0x10, s19;
	s18 =	sadd.s32 $0x10, s18;
	s22 =	sadd.s32 $0x1, s22;
	[tilespmem:s23+$0x9180] =	vst v1  }
0xf6: {  	s17 =	sadd.s32 $0x1, s17  }
0xf7: {  	p0 =	sne.s32 s17, s9  }
.Ltmp1:
0xf8: {  	_ = 	snop;
	(pc) =	sbr.rel @p0 .LBB2_1-.Ltmp1, $4  }
0xf9: {  	[hbm4b:s7+s2] =	stream.linear.scatter [tilespmem:s16], [sflag:$0x1], $0x600, $0x38;
	[tilespmem:$0x9600] =	vst v63  }
0xfa: {  	_ =	swait.ge [sflag:s12], $0x600  }
0xfb: {  	[sflag:s12] =	ssyncset.done $0x0  }
0xfc: {  	[sflag:s12] =	ssyncadd.s32 $0xFFFFFA00  }
0xfd: {  	_ =	sfence.sel $0x180000  }
0xfe: {  	[bflag:$0x0] =	sbarrier.arrive $0xFFFF  }
0xff: {  	p0 =	sne.s32 s0, $0x0;
	_ =	strace $0x90000047  }
0x100: {  	s0 =	sadd.s32 @!p0 $0x100000, s1;
	[bflag:$0x2] =	sbarrier.arrive $0xFFFF  }
0x101: {  	[sflag:s0] =	ssyncadd.tile.s32 @!p0 $0x1;
	_ =	shalt  }
.Lfunc_end2:
_tile_overlayer_lowered:
.L_overlay_start_2:
0x102: {  	(tag) =	ssettag $0x2  }
0x103: {  	s0 =	rddreg [dreg:$0x0];
	s2 =	stileid.u32  }
0x104: {  	s1 =	rddreg [dreg:$0x1];
	p0 =	sne.s32 s2, $0x0  }
0x105: {  	s3 =	rddreg [dreg:$0x2];
	[bflag:$0x3] =	sbarrier.arrive $0xFFFF;
	s2 =	simm.s32 @!p0 $0x1C01  }
0x106: {  	[timem:s3], [sflag:s2] =	dma.local @!p0 [hbm:s0], s1  }
0x107: {  	s0 =	simm.s32 @!p0 $0x1  }
0x108: {  	_ =	swait.ge @!p0 [sflag:s0], s1  }
0x109: {  	s1 =	ssub.s32 @!p0 $0x0, s1;
	[sflag:s0] =	ssyncset.done @!p0 $0x0  }
0x10a: {  	[sflag:s0] =	ssyncadd.s32 @!p0 s1  }
0x10b: {  	[bflag:$0x3] =	sbarrier.arrive $0xFFFF  }
0x10c: {  	_ =	shalt  }

</sc_bundles>
